<compile_context>
chip_gen: v7x
topology: tpu7x:2x2x1
jax: 0.10.2.dev20260603
libtpu: 0.0.44.dev20260713+nightly
codegen_flags: <defaults>
</compile_context>

<pallas_src>
import functools

import jax
import jax.numpy as jnp
from jax.experimental import pallas as pl
from jax.experimental.pallas import tpu as pltpu
from jax.experimental.pallas import tpu_sc as plsc

VOCAB, EMBED, HIDDEN = 100000, 256, 512
B, T = 16, 20
BT = B * T
NPAD = 512
GWIN = 128
VTILE = 4096


def _gather_call(E, idx):
    mesh = plsc.VectorSubcoreMesh(core_axis_name="c", subcore_axis_name="s")

    @functools.partial(
        pl.kernel,
        out_type=jax.ShapeDtypeStruct((NPAD, EMBED), E.dtype),
        mesh=mesh,
    )
    def gather_kernel(e_hbm, i_hbm, o_hbm):
        def body(i_vmem, o_vmem):
            pltpu.sync_copy(e_hbm.at[i_vmem.at[0]], o_vmem)

        pltpu.emit_pipeline(
            body,
            grid=(NPAD // GWIN,),
            in_specs=[pl.BlockSpec((1, GWIN), lambda i: (0, i))],
            out_specs=[pl.BlockSpec((GWIN, EMBED), lambda i: (i, 0))],
            core_axis_name="s",
            dimension_semantics=(pltpu.PARALLEL,),
        )(i_hbm, o_hbm)

    return gather_kernel(E, idx)


def _gru_proj_body(emb_ref, enc_ref, wih0_ref, whh0_ref, bi0_ref, bh0_ref,
                   wih1_ref, whh1_ref, bi1_ref, bh1_ref,
                   w1_ref, b1_ref, w2_ref, b2_ref, out_ref, ys_ref):
    def gru(x, h, wih, whh, bi, bh):
        gi = jnp.dot(x, wih, preferred_element_type=jnp.float32) + bi
        gh = jnp.dot(h, whh, preferred_element_type=jnp.float32) + bh
        i_r, i_z, i_n = gi[:, :HIDDEN], gi[:, HIDDEN:2 * HIDDEN], gi[:, 2 * HIDDEN:]
        h_r, h_z, h_n = gh[:, :HIDDEN], gh[:, HIDDEN:2 * HIDDEN], gh[:, 2 * HIDDEN:]
        r = jax.nn.sigmoid(i_r + h_r)
        z = jax.nn.sigmoid(i_z + h_z)
        n = jnp.tanh(i_n + r * h_n)
        return (1.0 - z) * n + z * h

    def step(t, carry):
        h0, h1 = carry
        x = emb_ref[pl.ds(t * B, B), :]
        h0n = gru(x, h0, wih0_ref[...], whh0_ref[...], bi0_ref[...], bh0_ref[...])
        h1n = gru(h0n, h1, wih1_ref[...], whh1_ref[...], bi1_ref[...], bh1_ref[...])
        ys_ref[pl.ds(t * B, B), :] = h1n
        return (h0n, h1n)

    h0 = enc_ref[0]
    h1 = enc_ref[1]
    jax.lax.fori_loop(0, T, step, (h0, h1))
    ys = ys_ref[...]
    hid = jnp.tanh(jnp.dot(ys, w1_ref[...], preferred_element_type=jnp.float32)
                   + b1_ref[...])
    out_ref[...] = jnp.dot(hid, w2_ref[...],
                           preferred_element_type=jnp.float32) + b2_ref[...]


def _logits_body(proj_ref, e_ref, gb_ref, out_ref):
    res = jax.lax.dot_general(
        proj_ref[...], e_ref[...],
        (((1,), (1,)), ((), ())),
        preferred_element_type=jnp.float32) + gb_ref[...]
    out_ref[...] = res.reshape(B, T, res.shape[-1])


def kernel(encoding, trg, E, W_ih0, W_hh0, b_ih0, b_hh0, W_ih1, W_hh1,
           b_ih1, b_hh1, W1, b1, W2, b2, g_b):
    idx = trg.astype(jnp.int32).T.reshape(-1)
    idx = jnp.concatenate([idx, jnp.zeros((NPAD - BT,), jnp.int32)])
    idx = idx.reshape(1, NPAD)

    emb = _gather_call(E, idx)

    gru_weights = (
        encoding,
        W_ih0.T, W_hh0.T, b_ih0.reshape(1, -1), b_hh0.reshape(1, -1),
        W_ih1.T, W_hh1.T, b_ih1.reshape(1, -1), b_hh1.reshape(1, -1),
        W1.T, b1.reshape(1, -1), W2.T, b2.reshape(1, -1),
    )

    proj = pl.pallas_call(
        _gru_proj_body,
        out_shape=jax.ShapeDtypeStruct((BT, EMBED), jnp.float32),
        scratch_shapes=[pltpu.VMEM((BT, HIDDEN), jnp.float32)],
    )(emb, *gru_weights)

    proj_bt = proj.reshape(T, B, EMBED).transpose(1, 0, 2).reshape(BT, EMBED)

    nv = pl.cdiv(VOCAB, VTILE)
    logits = pl.pallas_call(
        _logits_body,
        grid=(nv,),
        in_specs=[
            pl.BlockSpec((BT, EMBED), lambda i: (0, 0)),
            pl.BlockSpec((VTILE, EMBED), lambda i: (i, 0)),
            pl.BlockSpec((1, VTILE), lambda i: (0, i)),
        ],
        out_specs=pl.BlockSpec((B, T, VTILE), lambda i: (0, 0, i)),
        out_shape=jax.ShapeDtypeStruct((B, T, VOCAB), jnp.float32),
        compiler_params=pltpu.CompilerParams(
            dimension_semantics=("arbitrary",)),
    )(proj_bt, E, g_b.reshape(1, VOCAB))

    return logits

# --- scband reference (transcript-rebuilt; emitter-appended) ---
"""Pipeline reference for scband-decoder-33663953666199 (READ-ONLY COPY).

The authoritative reference and input builder live on the scoring server;
editing this copy changes nothing except your own understanding.
"""

import jax, jax.numpy as jnp
import numpy as np

VOCAB, EMBED, HIDDEN, LAYERS = 100000, 256, 512, 2
B, T = 16, 20


def gru_cell(x, h, W_ih, W_hh, b_ih, b_hh):
    gi = x @ W_ih.T + b_ih
    gh = h @ W_hh.T + b_hh
    i_r, i_z, i_n = jnp.split(gi, 3, axis=-1)
    h_r, h_z, h_n = jnp.split(gh, 3, axis=-1)
    r = jax.nn.sigmoid(i_r + h_r)
    z = jax.nn.sigmoid(i_z + h_z)
    n = jnp.tanh(i_n + r * h_n)
    return (1.0 - z) * n + z * h


def setup_inputs(seed: int = 0) -> dict:
    key = jax.random.key(seed)
    ks = jax.random.split(key, 20)
    inp = {}
    inp["encoding"] = jax.random.normal(ks[0], (LAYERS, B, HIDDEN), dtype=jnp.float32)
    inp["trg"] = jax.random.randint(ks[1], (B, T), 0, VOCAB)
    # learned parameters
    inp["E"] = jax.random.normal(ks[2], (VOCAB, EMBED), dtype=jnp.float32) * 0.02
    # GRU layer 0 (input = embed_size)
    inp["W_ih0"] = jax.random.normal(ks[3], (3 * HIDDEN, EMBED), dtype=jnp.float32) * 0.02
    inp["W_hh0"] = jax.random.normal(ks[4], (3 * HIDDEN, HIDDEN), dtype=jnp.float32) * 0.02
    inp["b_ih0"] = jnp.zeros((3 * HIDDEN,), dtype=jnp.float32)
    inp["b_hh0"] = jnp.zeros((3 * HIDDEN,), dtype=jnp.float32)
    # GRU layer 1 (input = hidden_size)
    inp["W_ih1"] = jax.random.normal(ks[5], (3 * HIDDEN, HIDDEN), dtype=jnp.float32) * 0.02
    inp["W_hh1"] = jax.random.normal(ks[6], (3 * HIDDEN, HIDDEN), dtype=jnp.float32) * 0.02
    inp["b_ih1"] = jnp.zeros((3 * HIDDEN,), dtype=jnp.float32)
    inp["b_hh1"] = jnp.zeros((3 * HIDDEN,), dtype=jnp.float32)
    # output projection: Linear(hidden,hidden) -> Tanh -> Linear(hidden,embed)
    inp["W1"] = jax.random.normal(ks[7], (HIDDEN, HIDDEN), dtype=jnp.float32) * 0.02
    inp["b1"] = jnp.zeros((HIDDEN,), dtype=jnp.float32)
    inp["W2"] = jax.random.normal(ks[8], (EMBED, HIDDEN), dtype=jnp.float32) * 0.02
    inp["b2"] = jnp.zeros((EMBED,), dtype=jnp.float32)
    # generator bias (weight is tied to E)
    inp["g_b"] = jnp.zeros((VOCAB,), dtype=jnp.float32)
    return inp


def reference(encoding, trg, E, W_ih0, W_hh0, b_ih0, b_hh0, W_ih1, W_hh1, b_ih1, b_hh1, W1, b1, W2, b2, g_b):
    # embed target tokens: gather rows from the (tied) embedding table
    emb = jnp.take(E, trg, axis=0)            # [B, T, EMBED]
    xs = jnp.swapaxes(emb, 0, 1)              # [T, B, EMBED]

    def step(carry, x):
        h0, h1 = carry
        h0n = gru_cell(x, h0, W_ih0, W_hh0, b_ih0, b_hh0)
        # dropout=0.0 -> identity between layers
        h1n = gru_cell(h0n, h1, W_ih1, W_hh1, b_ih1, b_hh1)
        return (h0n, h1n), h1n

    (_, _), ys = jax.lax.scan(step, (encoding[0], encoding[1]), xs)
    out = jnp.swapaxes(ys, 0, 1)              # [B, T, HIDDEN]
    proj = jnp.tanh(out @ W1.T + b1) @ W2.T + b2   # [B, T, EMBED]
    logits = proj @ E.T + g_b                 # tied generator: [B, T, VOCAB]
    return logits

if __name__ == "__main__":
    import jax
    _d = setup_inputs()
    print(jax.jit(kernel)(*tuple(_d.values())))

</pallas_src>

<mosaic_0001>
#map = affine_map<(d0, d1) -> (0, 0)>
module attributes {stable_mosaic.version = 14 : i64} {
  func.func @gather_kernel(%arg0: i32, %arg1: i32, %arg2: memref<100000x256xf32, #tpu.memory_space<hbm>>, %arg3: memref<1x512xi32, #tpu.memory_space<hbm>>, %arg4: memref<512x256xf32, #tpu.memory_space<hbm>>) attributes {dimension_semantics = [#tpu.dimension_semantics<core_parallel>, #tpu.dimension_semantics<subcore_parallel>], iteration_bounds = array<i64: 2, 16>, scalar_prefetch = 0 : i64, scratch_operands = 0 : i64, tpu.core_type = #tpu.core_type<sc_vector_subcore>, window_params = [{transform_indices = #map}, {transform_indices = #map}, {transform_indices = #map}]} {
    %lt3A = arith.constant 4 : i32
    %lt3A_0 = arith.cmpi slt, %arg1, %lt3A : i32
    %jit3A = arith.constant 1 : i32
    %jit3A_1 = arith.constant 0 : i32
    %select_n3A = arith.select %lt3A_0, %jit3A, %jit3A_1 : i32
    %lt3A_2 = arith.constant 4 : i32
    %lt3A_3 = arith.cmpi slt, %arg1, %lt3A_2 : i32
    %mul3A = arith.muli %arg1, %select_n3A : i32
    %mul3A_4 = arith.constant 0 : i32
    %mul3A_5 = arith.muli %arg1, %mul3A_4 : i32
    %add3A = arith.constant 4 : i32
    %add3A_6 = arith.addi %mul3A_5, %add3A : i32
    %select_n3A_7 = arith.select %lt3A_3, %mul3A, %add3A_6 : i32
    %mul3A_8 = arith.constant 1 : i32
    %mul3A_9 = arith.muli %mul3A_8, %select_n3A : i32
    "tpu.region"() ({
      %run_scoped3A = memref.alloca() : memref<2x1x128xi32, #tpu.memory_space<vmem>>
      %run_scoped3A_10 = tpu.sem_alloc : memref<2x!tpu.dma_semaphore, #tpu.memory_space<semaphore_mem>>
      %run_scoped3A_11 = memref.alloca() : memref<2x128x256xf32, #tpu.memory_space<vmem>>
      %run_scoped3A_12 = tpu.sem_alloc : memref<2x!tpu.dma_semaphore, #tpu.memory_space<semaphore_mem>>
      %gt3A = arith.constant 0 : i32
      %gt3A_13 = arith.cmpi sgt, %mul3A_9, %gt3A : i32
      %convert_element_type3A = arith.extui %gt3A_13 : i1 to i32
      %cond3A = arith.constant 0 : i32
      %cond3A_14 = arith.cmpi ne, %convert_element_type3A, %cond3A : i32
      scf.if %cond3A_14 {
        %mul3A_15 = arith.constant 1 : i32
        %mul3A_16 = arith.muli %mul3A_15, %select_n3A : i32
        %sub3A = arith.constant 1 : i32
        %sub3A_17 = arith.subi %mul3A_16, %sub3A : i32
        %eq3A = arith.constant 0 : i32
        %eq3A_18 = arith.cmpi eq, %sub3A_17, %eq3A : i32
        %add3A_19 = arith.constant 0 : i32
        %add3A_20 = arith.addi %add3A_19, %select_n3A_7 : i32
        %select_n3A_21 = arith.constant true
        %select_n3A_22 = arith.constant 0 : i32
        %select_n3A_23 = arith.constant -1 : i32
        %select_n3A_24 = arith.select %select_n3A_21, %select_n3A_23, %select_n3A_22 : i32
        %eq3A_25 = arith.constant -1 : i32
        %eq3A_26 = arith.cmpi eq, %select_n3A_24, %eq3A_25 : i32
        %sub3A_27 = arith.constant 1 : i32
        %sub3A_28 = arith.subi %select_n3A, %sub3A_27 : i32
        %select_n3A_29 = arith.select %eq3A_26, %sub3A_28, %select_n3A_24 : i32
        %add3A_30 = arith.addi %select_n3A_29, %select_n3A_7 : i32
        %select_n3A_31 = arith.constant true
        %select_n3A_32 = arith.constant 0 : i32
        %select_n3A_33 = arith.constant 1 : i32
        %select_n3A_34 = arith.select %select_n3A_31, %select_n3A_33, %select_n3A_32 : i32
        %eq3A_35 = arith.cmpi eq, %select_n3A_34, %select_n3A : i32
        %select_n3A_36 = arith.constant 0 : i32
        %select_n3A_37 = arith.select %eq3A_35, %select_n3A_36, %select_n3A_34 : i32
        %add3A_38 = arith.addi %select_n3A_37, %select_n3A_7 : i32
        %add3A_39 = arith.constant 1 : i32
        %add3A_40 = arith.addi %select_n3A_37, %add3A_39 : i32
        %select_n3A_41 = arith.constant true
        %select_n3A_42 = arith.select %select_n3A_41, %add3A_40, %select_n3A_37 : i32
        %eq3A_43 = arith.cmpi eq, %select_n3A_42, %select_n3A : i32
        %select_n3A_44 = arith.constant 0 : i32
        %select_n3A_45 = arith.select %eq3A_43, %select_n3A_44, %select_n3A_42 : i32
        %add3A_46 = arith.addi %select_n3A_45, %select_n3A_7 : i32
        "tpu.trace_start"() <{level = 10 : i32, message = "ep_initialize_0"}> : () -> ()
        %rem3A = arith.constant 0 : i32
        %rem3A_47 = arith.constant 2 : i32
        %rem3A_48 = arith.remui %rem3A, %rem3A_47 : i32
        %mul3A_49 = arith.constant 128 : i32
        %mul3A_50 = arith.muli %mul3A_49, %add3A_20 : i32
        %dma_start3A = arith.constant 0 : i32
        %dma_start3A_51 = arith.constant 0 : i32
        %dma_start3A_52 = tpu.memref_slice %run_scoped3A[%rem3A_48, %dma_start3A, %dma_start3A_51] : memref<2x1x128xi32, #tpu.memory_space<vmem>> -> memref<1x1x128xi32, #tpu.memory_space<vmem>>
        %dma_start3A_53 = tpu.memref_squeeze %dma_start3A_52 : memref<1x1x128xi32, #tpu.memory_space<vmem>> -> memref<1x128xi32, #tpu.memory_space<vmem>>
        %dma_start3A_54 = arith.constant 0 : i32
        %dma_start3A_55 = tpu.memref_slice %arg3[%dma_start3A_54, %mul3A_50] : memref<1x512xi32, #tpu.memory_space<hbm>> -> memref<1x128xi32, #tpu.memory_space<hbm>>
        %dma_start3A_56 = tpu.memref_slice %run_scoped3A_10[%rem3A_48] : memref<2x!tpu.dma_semaphore, #tpu.memory_space<semaphore_mem>> -> memref<1x!tpu.dma_semaphore, #tpu.memory_space<semaphore_mem>>
        %dma_start3A_57 = tpu.memref_squeeze %dma_start3A_56 : memref<1x!tpu.dma_semaphore, #tpu.memory_space<semaphore_mem>> -> memref<!tpu.dma_semaphore, #tpu.memory_space<semaphore_mem>>
        %dma_start3A_58 = arith.constant 0 : i32
        %dma_start3A_59 = arith.constant 0 : i32
        %dma_start3A_60 = tpu.memref_slice %run_scoped3A[%rem3A_48, %dma_start3A_58, %dma_start3A_59] : memref<2x1x128xi32, #tpu.memory_space<vmem>> -> memref<1x1x128xi32, #tpu.memory_space<vmem>>
        %dma_start3A_61 = tpu.memref_squeeze %dma_start3A_60 : memref<1x1x128xi32, #tpu.memory_space<vmem>> -> memref<1x128xi32, #tpu.memory_space<vmem>>
        %dma_start3A_62 = arith.constant 0 : i32
        %dma_start3A_63 = tpu.memref_slice %arg3[%dma_start3A_62, %mul3A_50] : memref<1x512xi32, #tpu.memory_space<hbm>> -> memref<1x128xi32, #tpu.memory_space<hbm>>
        tpu.enqueue_dma source(%dma_start3A_63 : memref<1x128xi32, #tpu.memory_space<hbm>>) target(%dma_start3A_61 : memref<1x128xi32, #tpu.memory_space<vmem>>) target_semaphore(%dma_start3A_57 : memref<!tpu.dma_semaphore, #tpu.memory_space<semaphore_mem>>)
        %add3A_64 = arith.constant 0 : i32
        %add3A_65 = arith.constant 1 : i32
        %add3A_66 = arith.addi %add3A_64, %add3A_65 : i32
        %select_n3A_67 = arith.constant true
        %select_n3A_68 = arith.constant 0 : i32
        %select_n3A_69 = arith.select %select_n3A_67, %add3A_66, %select_n3A_68 : i32
        %while3A = arith.constant 0 : i32
        %while3A_70 = arith.constant 0 : i32
        %while3A_71 = arith.constant 0 : i32
        %while3A_72 = arith.constant 0 : i32
        %while3A_73 = arith.constant 0 : i32
        "tpu.trace_stop"() : () -> ()
        %while3A_74 = arith.subi %mul3A_9, %while3A : i32
        %while3A_75 = arith.addi %while3A, %while3A_74 : i32
        %while3A_76 = arith.constant 1 : i32
        %while3A_77 = arith.divsi %while3A_74, %while3A_76 : i32
        %while3A_78 = arith.muli %while3A_77, %while3A_76 : i32
        %while3A_79 = arith.addi %while3A, %while3A_78 : i32
        %while3A_80 = arith.constant 1 : i32
        %while3A_81:5 = scf.for %while3A_135 = %while3A to %while3A_79 step %while3A_80 iter_args(%while3A_136 = %select_n3A_69, %while3A_137 = %while3A_70, %while3A_138 = %while3A_71, %while3A_139 = %while3A_72, %while3A_140 = %while3A_73) -> (i32, i32, i32, i32, i32)  : i32 {
          %mul3A_141 = arith.constant 1 : i32
          %mul3A_142 = arith.muli %mul3A_141, %select_n3A : i32
          %eq3A_143 = arith.constant 0 : i32
          %eq3A_144 = arith.cmpi eq, %while3A_135, %eq3A_143 : i32
          %sub3A_145 = arith.constant 1 : i32
          %sub3A_146 = arith.subi %mul3A_142, %sub3A_145 : i32
          %eq3A_147 = arith.cmpi eq, %while3A_135, %sub3A_146 : i32
          %add3A_148 = arith.addi %while3A_140, %select_n3A_7 : i32
          %sub3A_149 = arith.constant 1 : i32
          %sub3A_150 = arith.subi %while3A_140, %sub3A_149 : i32
          %select_n3A_151 = arith.constant true
          %select_n3A_152 = arith.select %select_n3A_151, %sub3A_150, %while3A_140 : i32
          %eq3A_153 = arith.constant -1 : i32
          %eq3A_154 = arith.cmpi eq, %select_n3A_152, %eq3A_153 : i32
          %sub3A_155 = arith.constant 1 : i32
          %sub3A_156 = arith.subi %select_n3A, %sub3A_155 : i32
          %select_n3A_157 = arith.select %eq3A_154, %sub3A_156, %select_n3A_152 : i32
          %add3A_158 = arith.addi %select_n3A_157, %select_n3A_7 : i32
          %add3A_159 = arith.constant 1 : i32
          %add3A_160 = arith.addi %while3A_140, %add3A_159 : i32
          %select_n3A_161 = arith.constant true
          %select_n3A_162 = arith.select %select_n3A_161, %add3A_160, %while3A_140 : i32
          %eq3A_163 = arith.cmpi eq, %select_n3A_162, %select_n3A : i32
          %select_n3A_164 = arith.constant 0 : i32
          %select_n3A_165 = arith.select %eq3A_163, %select_n3A_164, %select_n3A_162 : i32
          %add3A_166 = arith.addi %select_n3A_165, %select_n3A_7 : i32
          %add3A_167 = arith.constant 1 : i32
          %add3A_168 = arith.addi %select_n3A_165, %add3A_167 : i32
          %select_n3A_169 = arith.constant true
          %select_n3A_170 = arith.select %select_n3A_169, %add3A_168, %select_n3A_165 : i32
          %eq3A_171 = arith.cmpi eq, %select_n3A_170, %select_n3A : i32
          %select_n3A_172 = arith.constant 0 : i32
          %select_n3A_173 = arith.select %eq3A_171, %select_n3A_172, %select_n3A_170 : i32
          %add3A_174 = arith.addi %select_n3A_173, %select_n3A_7 : i32
          %ne3A = arith.cmpi ne, %add3A_148, %add3A_166 : i32
          %or3A = arith.constant false
          %or3A_175 = arith.ori %or3A, %ne3A : i1
          %sub3A_176 = arith.constant 2 : i32
          %sub3A_177 = arith.subi %mul3A_142, %sub3A_176 : i32
          %add3A_178 = arith.constant 1 : i32
          %add3A_179 = arith.addi %sub3A_177, %add3A_178 : i32
          %ge3A = arith.cmpi sge, %while3A_135, %add3A_179 : i32
          %not3A = arith.constant true
          %not3A_180 = arith.xori %ge3A, %not3A : i1
          %and3A = arith.andi %or3A_175, %not3A_180 : i1
          %convert_element_type3A_181 = arith.extui %and3A : i1 to i32
          %cond3A_182 = arith.constant 0 : i32
          %cond3A_183 = arith.cmpi ne, %convert_element_type3A_181, %cond3A_182 : i32
          scf.if %cond3A_183 {
            "tpu.trace_start"() <{level = 10 : i32, message = "ep_copy_in"}> : () -> ()
            %rem3A_287 = arith.constant 2 : i32
            %rem3A_288 = arith.remui %while3A_136, %rem3A_287 : i32
            %mul3A_289 = arith.constant 128 : i32
            %mul3A_290 = arith.muli %mul3A_289, %add3A_166 : i32
            %dma_start3A_291 = arith.constant 0 : i32
            %dma_start3A_292 = arith.constant 0 : i32
            %dma_start3A_293 = tpu.memref_slice %run_scoped3A[%rem3A_288, %dma_start3A_291, %dma_start3A_292] : memref<2x1x128xi32, #tpu.memory_space<vmem>> -> memref<1x1x128xi32, #tpu.memory_space<vmem>>
            %dma_start3A_294 = tpu.memref_squeeze %dma_start3A_293 : memref<1x1x128xi32, #tpu.memory_space<vmem>> -> memref<1x128xi32, #tpu.memory_space<vmem>>
            %dma_start3A_295 = arith.constant 0 : i32
            %dma_start3A_296 = tpu.memref_slice %arg3[%dma_start3A_295, %mul3A_290] : memref<1x512xi32, #tpu.memory_space<hbm>> -> memref<1x128xi32, #tpu.memory_space<hbm>>
            %dma_start3A_297 = tpu.memref_slice %run_scoped3A_10[%rem3A_288] : memref<2x!tpu.dma_semaphore, #tpu.memory_space<semaphore_mem>> -> memref<1x!tpu.dma_semaphore, #tpu.memory_space<semaphore_mem>>
            %dma_start3A_298 = tpu.memref_squeeze %dma_start3A_297 : memref<1x!tpu.dma_semaphore, #tpu.memory_space<semaphore_mem>> -> memref<!tpu.dma_semaphore, #tpu.memory_space<semaphore_mem>>
            %dma_start3A_299 = arith.constant 0 : i32
            %dma_start3A_300 = arith.constant 0 : i32
            %dma_start3A_301 = tpu.memref_slice %run_scoped3A[%rem3A_288, %dma_start3A_299, %dma_start3A_300] : memref<2x1x128xi32, #tpu.memory_space<vmem>> -> memref<1x1x128xi32, #tpu.memory_space<vmem>>
            %dma_start3A_302 = tpu.memref_squeeze %dma_start3A_301 : memref<1x1x128xi32, #tpu.memory_space<vmem>> -> memref<1x128xi32, #tpu.memory_space<vmem>>
            %dma_start3A_303 = arith.constant 0 : i32
            %dma_start3A_304 = tpu.memref_slice %arg3[%dma_start3A_303, %mul3A_290] : memref<1x512xi32, #tpu.memory_space<hbm>> -> memref<1x128xi32, #tpu.memory_space<hbm>>
            tpu.enqueue_dma source(%dma_start3A_304 : memref<1x128xi32, #tpu.memory_space<hbm>>) target(%dma_start3A_302 : memref<1x128xi32, #tpu.memory_space<vmem>>) target_semaphore(%dma_start3A_298 : memref<!tpu.dma_semaphore, #tpu.memory_space<semaphore_mem>>)
            "tpu.trace_stop"() : () -> ()
          } else {
          }
          %and3A_184 = arith.constant true
          %and3A_185 = arith.andi %and3A, %and3A_184 : i1
          %add3A_186 = arith.constant 1 : i32
          %add3A_187 = arith.addi %while3A_136, %add3A_186 : i32
          %select_n3A_188 = arith.select %and3A_185, %add3A_187, %while3A_136 : i32
          %ne3A_189 = arith.cmpi ne, %add3A_148, %add3A_166 : i32
          %or3A_190 = arith.constant false
          %or3A_191 = arith.ori %or3A_190, %ne3A_189 : i1
          %or3A_192 = arith.constant false
          %or3A_193 = arith.ori %or3A_191, %or3A_192 : i1
          %sub3A_194 = arith.constant 2 : i32
          %sub3A_195 = arith.subi %mul3A_142, %sub3A_194 : i32
          %add3A_196 = arith.constant 1 : i32
          %add3A_197 = arith.addi %sub3A_195, %add3A_196 : i32
          %ge3A_198 = arith.cmpi sge, %while3A_135, %add3A_197 : i32
          %not3A_199 = arith.constant true
          %not3A_200 = arith.xori %ge3A_198, %not3A_199 : i1
          %and3A_201 = arith.andi %or3A_193, %not3A_200 : i1
          %ne3A_202 = arith.cmpi ne, %add3A_148, %add3A_158 : i32
          %or3A_203 = arith.constant false
          %or3A_204 = arith.ori %or3A_203, %ne3A_202 : i1
          %or3A_205 = arith.ori %or3A_204, %eq3A_144 : i1
          %convert_element_type3A_206 = arith.extui %or3A_205 : i1 to i32
          %cond3A_207 = arith.constant 0 : i32
          %cond3A_208 = arith.cmpi ne, %convert_element_type3A_206, %cond3A_207 : i32
          scf.if %cond3A_208 {
            "tpu.trace_start"() <{level = 10 : i32, message = "ep_wait_in"}> : () -> ()
            %mul3A_287 = arith.constant 128 : i32
            %mul3A_288 = arith.muli %mul3A_287, %add3A_148 : i32
            %rem3A_289 = arith.constant 2 : i32
            %rem3A_290 = arith.remui %while3A_137, %rem3A_289 : i32
            %dma_wait3A = arith.constant 0 : i32
            %dma_wait3A_291 = arith.constant 0 : i32
            %dma_wait3A_292 = tpu.memref_slice %run_scoped3A[%rem3A_290, %dma_wait3A, %dma_wait3A_291] : memref<2x1x128xi32, #tpu.memory_space<vmem>> -> memref<1x1x128xi32, #tpu.memory_space<vmem>>
            %dma_wait3A_293 = tpu.memref_squeeze %dma_wait3A_292 : memref<1x1x128xi32, #tpu.memory_space<vmem>> -> memref<1x128xi32, #tpu.memory_space<vmem>>
            %dma_wait3A_294 = arith.constant 0 : i32
            %dma_wait3A_295 = tpu.memref_slice %arg3[%dma_wait3A_294, %mul3A_288] : memref<1x512xi32, #tpu.memory_space<hbm>> -> memref<1x128xi32, #tpu.memory_space<hbm>>
            %dma_wait3A_296 = tpu.memref_slice %run_scoped3A_10[%rem3A_290] : memref<2x!tpu.dma_semaphore, #tpu.memory_space<semaphore_mem>> -> memref<1x!tpu.dma_semaphore, #tpu.memory_space<semaphore_mem>>
            %dma_wait3A_297 = tpu.memref_squeeze %dma_wait3A_296 : memref<1x!tpu.dma_semaphore, #tpu.memory_space<semaphore_mem>> -> memref<!tpu.dma_semaphore, #tpu.memory_space<semaphore_mem>>
            %dma_wait3A_298 = arith.constant 0 : i32
            %dma_wait3A_299 = arith.constant 0 : i32
            %dma_wait3A_300 = tpu.memref_slice %run_scoped3A[%rem3A_290, %dma_wait3A_298, %dma_wait3A_299] : memref<2x1x128xi32, #tpu.memory_space<vmem>> -> memref<1x1x128xi32, #tpu.memory_space<vmem>>
            %dma_wait3A_301 = tpu.memref_squeeze %dma_wait3A_300 : memref<1x1x128xi32, #tpu.memory_space<vmem>> -> memref<1x128xi32, #tpu.memory_space<vmem>>
            %dma_wait3A_302 = arith.constant 0 : i32
            %dma_wait3A_303 = tpu.memref_slice %arg3[%dma_wait3A_302, %mul3A_288] : memref<1x512xi32, #tpu.memory_space<hbm>> -> memref<1x128xi32, #tpu.memory_space<hbm>>
            tpu.wait_dma2 semaphore(%dma_wait3A_297 : memref<!tpu.dma_semaphore, #tpu.memory_space<semaphore_mem>>) src(%dma_wait3A_303 : memref<1x128xi32, #tpu.memory_space<hbm>>) dst(%dma_wait3A_301 : memref<1x128xi32, #tpu.memory_space<vmem>>)
            "tpu.trace_stop"() : () -> ()
          } else {
          }
          %ne3A_209 = arith.cmpi ne, %add3A_148, %add3A_158 : i32
          %or3A_210 = arith.constant false
          %or3A_211 = arith.ori %or3A_210, %ne3A_209 : i1
          %or3A_212 = arith.constant false
          %or3A_213 = arith.ori %or3A_211, %or3A_212 : i1
          %or3A_214 = arith.ori %or3A_213, %eq3A_144 : i1
          %convert_element_type3A_215 = arith.extui %or3A_214 : i1 to i32
          %cond3A_216 = arith.constant 0 : i32
          %cond3A_217 = arith.cmpi ne, %convert_element_type3A_215, %cond3A_216 : i32
          scf.if %cond3A_217 {
          } else {
          }
          %rem3A_218 = arith.constant 2 : i32
          %rem3A_219 = arith.remui %while3A_137, %rem3A_218 : i32
          %rem3A_220 = arith.constant 2 : i32
          %rem3A_221 = arith.remui %while3A_138, %rem3A_220 : i32
          %run_scoped3A_222 = arith.constant 0 : i32
          "tpu.trace_start"() <{level = 10 : i32, message = "ep_run_kernel"}> : () -> ()
          "tpu.region"() ({
            %run_scoped3A_287 = tpu.sem_alloc : memref<!tpu.dma_semaphore, #tpu.memory_space<semaphore_mem>>
            %dma_start3A_288 = arith.constant 0 : i32
            %dma_start3A_289 = arith.constant 0 : i32
            %dma_start3A_290 = tpu.memref_slice %run_scoped3A_11[%rem3A_221, %dma_start3A_288, %dma_start3A_289] : memref<2x128x256xf32, #tpu.memory_space<vmem>> -> memref<1x128x256xf32, #tpu.memory_space<vmem>>
            %dma_start3A_291 = tpu.memref_squeeze %dma_start3A_290 : memref<1x128x256xf32, #tpu.memory_space<vmem>> -> memref<128x256xf32, #tpu.memory_space<vmem>>
            %dma_start3A_292 = arith.constant 0 : i32
            %dma_start3A_293 = arith.constant 0 : i32
            %dma_start3A_294 = tpu.memref_slice %run_scoped3A[%rem3A_219, %dma_start3A_292, %dma_start3A_293] : memref<2x1x128xi32, #tpu.memory_space<vmem>> -> memref<1x1x128xi32, #tpu.memory_space<vmem>>
            %dma_start3A_295 = tpu.memref_squeeze %dma_start3A_294 : memref<1x1x128xi32, #tpu.memory_space<vmem>> -> memref<1x128xi32, #tpu.memory_space<vmem>>
            %dma_start3A_296 = arith.constant 0 : i32
            %dma_start3A_297 = tpu.memref_slice %dma_start3A_295[%run_scoped3A_222, %dma_start3A_296] : memref<1x128xi32, #tpu.memory_space<vmem>> -> memref<1x128xi32, #tpu.memory_space<vmem>>
            %dma_start3A_298 = tpu.memref_squeeze %dma_start3A_297 : memref<1x128xi32, #tpu.memory_space<vmem>> -> memref<128xi32, #tpu.memory_space<vmem>>
            %dma_start3A_299 = arith.constant 0 : i32
            %dma_start3A_300 = arith.constant 0 : i32
            %dma_start3A_301 = tpu.memref_slice %arg2[%dma_start3A_299, %dma_start3A_300] : memref<100000x256xf32, #tpu.memory_space<hbm>> -> memref<100000x256xf32, #tpu.memory_space<hbm>>
            tpu.enqueue_indirect_dma source(%dma_start3A_301 : memref<100000x256xf32, #tpu.memory_space<hbm>>) target(%dma_start3A_291 : memref<128x256xf32, #tpu.memory_space<vmem>>) offsets(%dma_start3A_298 : memref<128xi32, #tpu.memory_space<vmem>>) semaphore(%run_scoped3A_287 : memref<!tpu.dma_semaphore, #tpu.memory_space<semaphore_mem>>)
            %dma_wait3A = arith.constant 0 : i32
            %dma_wait3A_302 = arith.constant 0 : i32
            %dma_wait3A_303 = tpu.memref_slice %run_scoped3A_11[%rem3A_221, %dma_wait3A, %dma_wait3A_302] : memref<2x128x256xf32, #tpu.memory_space<vmem>> -> memref<1x128x256xf32, #tpu.memory_space<vmem>>
            %dma_wait3A_304 = tpu.memref_squeeze %dma_wait3A_303 : memref<1x128x256xf32, #tpu.memory_space<vmem>> -> memref<128x256xf32, #tpu.memory_space<vmem>>
            %dma_wait3A_305 = arith.constant 0 : i32
            %dma_wait3A_306 = arith.constant 0 : i32
            %dma_wait3A_307 = tpu.memref_slice %run_scoped3A[%rem3A_219, %dma_wait3A_305, %dma_wait3A_306] : memref<2x1x128xi32, #tpu.memory_space<vmem>> -> memref<1x1x128xi32, #tpu.memory_space<vmem>>
            %dma_wait3A_308 = tpu.memref_squeeze %dma_wait3A_307 : memref<1x1x128xi32, #tpu.memory_space<vmem>> -> memref<1x128xi32, #tpu.memory_space<vmem>>
            %dma_wait3A_309 = arith.constant 0 : i32
            %dma_wait3A_310 = tpu.memref_slice %dma_wait3A_308[%run_scoped3A_222, %dma_wait3A_309] : memref<1x128xi32, #tpu.memory_space<vmem>> -> memref<1x128xi32, #tpu.memory_space<vmem>>
            %dma_wait3A_311 = tpu.memref_squeeze %dma_wait3A_310 : memref<1x128xi32, #tpu.memory_space<vmem>> -> memref<128xi32, #tpu.memory_space<vmem>>
            %dma_wait3A_312 = arith.constant 0 : i32
            %dma_wait3A_313 = arith.constant 0 : i32
            %dma_wait3A_314 = tpu.memref_slice %arg2[%dma_wait3A_312, %dma_wait3A_313] : memref<100000x256xf32, #tpu.memory_space<hbm>> -> memref<100000x256xf32, #tpu.memory_space<hbm>>
            tpu.wait_indirect_dma semaphore(%run_scoped3A_287 : memref<!tpu.dma_semaphore, #tpu.memory_space<semaphore_mem>>) src(%dma_wait3A_314 : memref<100000x256xf32, #tpu.memory_space<hbm>>) dst(%dma_wait3A_304 : memref<128x256xf32, #tpu.memory_space<vmem>>)
            tpu.yield
          }) : () -> ()
          "tpu.trace_stop"() : () -> ()
          %ne3A_223 = arith.cmpi ne, %add3A_148, %add3A_166 : i32
          %or3A_224 = arith.constant false
          %or3A_225 = arith.ori %or3A_224, %ne3A_223 : i1
          %or3A_226 = arith.ori %or3A_225, %eq3A_147 : i1
          %convert_element_type3A_227 = arith.extui %or3A_226 : i1 to i32
          %cond3A_228 = arith.constant 0 : i32
          %cond3A_229 = arith.cmpi ne, %convert_element_type3A_227, %cond3A_228 : i32
          scf.if %cond3A_229 {
          } else {
          }
          %and3A_230 = arith.constant false
          %and3A_231 = arith.andi %or3A_226, %and3A_230 : i1
          %ne3A_232 = arith.cmpi ne, %add3A_148, %add3A_166 : i32
          %or3A_233 = arith.constant false
          %or3A_234 = arith.ori %or3A_233, %ne3A_232 : i1
          %or3A_235 = arith.constant false
          %or3A_236 = arith.ori %or3A_234, %or3A_235 : i1
          %or3A_237 = arith.ori %or3A_236, %eq3A_147 : i1
          %convert_element_type3A_238 = arith.extui %or3A_237 : i1 to i32
          %cond3A_239 = arith.constant 0 : i32
          %cond3A_240 = arith.cmpi ne, %convert_element_type3A_238, %cond3A_239 : i32
          scf.if %cond3A_240 {
            "tpu.trace_start"() <{level = 10 : i32, message = "ep_copy_out"}> : () -> ()
            %rem3A_287 = arith.constant 2 : i32
            %rem3A_288 = arith.remui %while3A_138, %rem3A_287 : i32
            %mul3A_289 = arith.constant 128 : i32
            %mul3A_290 = arith.muli %mul3A_289, %add3A_148 : i32
            %dma_start3A_291 = arith.constant 0 : i32
            %dma_start3A_292 = arith.constant 0 : i32
            %dma_start3A_293 = tpu.memref_slice %run_scoped3A_11[%rem3A_288, %dma_start3A_291, %dma_start3A_292] : memref<2x128x256xf32, #tpu.memory_space<vmem>> -> memref<1x128x256xf32, #tpu.memory_space<vmem>>
            %dma_start3A_294 = tpu.memref_squeeze %dma_start3A_293 : memref<1x128x256xf32, #tpu.memory_space<vmem>> -> memref<128x256xf32, #tpu.memory_space<vmem>>
            %dma_start3A_295 = arith.constant 0 : i32
            %dma_start3A_296 = tpu.memref_slice %arg4[%mul3A_290, %dma_start3A_295] : memref<512x256xf32, #tpu.memory_space<hbm>> -> memref<128x256xf32, #tpu.memory_space<hbm>>
            %dma_start3A_297 = tpu.memref_slice %run_scoped3A_12[%rem3A_288] : memref<2x!tpu.dma_semaphore, #tpu.memory_space<semaphore_mem>> -> memref<1x!tpu.dma_semaphore, #tpu.memory_space<semaphore_mem>>
            %dma_start3A_298 = tpu.memref_squeeze %dma_start3A_297 : memref<1x!tpu.dma_semaphore, #tpu.memory_space<semaphore_mem>> -> memref<!tpu.dma_semaphore, #tpu.memory_space<semaphore_mem>>
            %dma_start3A_299 = arith.constant 0 : i32
            %dma_start3A_300 = tpu.memref_slice %arg4[%mul3A_290, %dma_start3A_299] : memref<512x256xf32, #tpu.memory_space<hbm>> -> memref<128x256xf32, #tpu.memory_space<hbm>>
            %dma_start3A_301 = arith.constant 0 : i32
            %dma_start3A_302 = arith.constant 0 : i32
            %dma_start3A_303 = tpu.memref_slice %run_scoped3A_11[%rem3A_288, %dma_start3A_301, %dma_start3A_302] : memref<2x128x256xf32, #tpu.memory_space<vmem>> -> memref<1x128x256xf32, #tpu.memory_space<vmem>>
            %dma_start3A_304 = tpu.memref_squeeze %dma_start3A_303 : memref<1x128x256xf32, #tpu.memory_space<vmem>> -> memref<128x256xf32, #tpu.memory_space<vmem>>
            tpu.enqueue_dma source(%dma_start3A_304 : memref<128x256xf32, #tpu.memory_space<vmem>>) target(%dma_start3A_300 : memref<128x256xf32, #tpu.memory_space<hbm>>) target_semaphore(%dma_start3A_298 : memref<!tpu.dma_semaphore, #tpu.memory_space<semaphore_mem>>)
            "tpu.trace_stop"() : () -> ()
          } else {
          }
          %and3A_241 = arith.constant true
          %and3A_242 = arith.andi %or3A_237, %and3A_241 : i1
          %add3A_243 = arith.constant 1 : i32
          %add3A_244 = arith.addi %while3A_138, %add3A_243 : i32
          %select_n3A_245 = arith.select %and3A_242, %add3A_244, %while3A_138 : i32
          %ne3A_246 = arith.cmpi ne, %add3A_148, %add3A_158 : i32
          %or3A_247 = arith.constant false
          %or3A_248 = arith.ori %or3A_247, %ne3A_246 : i1
          %not3A_249 = arith.constant true
          %not3A_250 = arith.xori %eq3A_144, %not3A_249 : i1
          %and3A_251 = arith.andi %or3A_248, %not3A_250 : i1
          %convert_element_type3A_252 = arith.extui %and3A_251 : i1 to i32
          %cond3A_253 = arith.constant 0 : i32
          %cond3A_254 = arith.cmpi ne, %convert_element_type3A_252, %cond3A_253 : i32
          scf.if %cond3A_254 {
          } else {
          }
          %and3A_255 = arith.constant false
          %and3A_256 = arith.andi %and3A_251, %and3A_255 : i1
          %ne3A_257 = arith.cmpi ne, %add3A_148, %add3A_158 : i32
          %or3A_258 = arith.constant false
          %or3A_259 = arith.ori %or3A_258, %ne3A_257 : i1
          %or3A_260 = arith.constant false
          %or3A_261 = arith.ori %or3A_259, %or3A_260 : i1
          %not3A_262 = arith.constant true
          %not3A_263 = arith.xori %eq3A_144, %not3A_262 : i1
          %and3A_264 = arith.andi %or3A_261, %not3A_263 : i1
          %convert_element_type3A_265 = arith.extui %and3A_264 : i1 to i32
          %cond3A_266 = arith.constant 0 : i32
          %cond3A_267 = arith.cmpi ne, %convert_element_type3A_265, %cond3A_266 : i32
          scf.if %cond3A_267 {
            "tpu.trace_start"() <{level = 10 : i32, message = "ep_wait_out"}> : () -> ()
            %rem3A_287 = arith.constant 2 : i32
            %rem3A_288 = arith.remui %while3A_139, %rem3A_287 : i32
            %mul3A_289 = arith.constant 128 : i32
            %mul3A_290 = arith.muli %mul3A_289, %add3A_158 : i32
            %dma_wait3A = arith.constant 0 : i32
            %dma_wait3A_291 = arith.constant 0 : i32
            %dma_wait3A_292 = tpu.memref_slice %run_scoped3A_11[%rem3A_288, %dma_wait3A, %dma_wait3A_291] : memref<2x128x256xf32, #tpu.memory_space<vmem>> -> memref<1x128x256xf32, #tpu.memory_space<vmem>>
            %dma_wait3A_293 = tpu.memref_squeeze %dma_wait3A_292 : memref<1x128x256xf32, #tpu.memory_space<vmem>> -> memref<128x256xf32, #tpu.memory_space<vmem>>
            %dma_wait3A_294 = arith.constant 0 : i32
            %dma_wait3A_295 = tpu.memref_slice %arg4[%mul3A_290, %dma_wait3A_294] : memref<512x256xf32, #tpu.memory_space<hbm>> -> memref<128x256xf32, #tpu.memory_space<hbm>>
            %dma_wait3A_296 = tpu.memref_slice %run_scoped3A_12[%rem3A_288] : memref<2x!tpu.dma_semaphore, #tpu.memory_space<semaphore_mem>> -> memref<1x!tpu.dma_semaphore, #tpu.memory_space<semaphore_mem>>
            %dma_wait3A_297 = tpu.memref_squeeze %dma_wait3A_296 : memref<1x!tpu.dma_semaphore, #tpu.memory_space<semaphore_mem>> -> memref<!tpu.dma_semaphore, #tpu.memory_space<semaphore_mem>>
            %dma_wait3A_298 = arith.constant 0 : i32
            %dma_wait3A_299 = tpu.memref_slice %arg4[%mul3A_290, %dma_wait3A_298] : memref<512x256xf32, #tpu.memory_space<hbm>> -> memref<128x256xf32, #tpu.memory_space<hbm>>
            %dma_wait3A_300 = arith.constant 0 : i32
            %dma_wait3A_301 = arith.constant 0 : i32
            %dma_wait3A_302 = tpu.memref_slice %run_scoped3A_11[%rem3A_288, %dma_wait3A_300, %dma_wait3A_301] : memref<2x128x256xf32, #tpu.memory_space<vmem>> -> memref<1x128x256xf32, #tpu.memory_space<vmem>>
            %dma_wait3A_303 = tpu.memref_squeeze %dma_wait3A_302 : memref<1x128x256xf32, #tpu.memory_space<vmem>> -> memref<128x256xf32, #tpu.memory_space<vmem>>
            tpu.wait_dma2 semaphore(%dma_wait3A_297 : memref<!tpu.dma_semaphore, #tpu.memory_space<semaphore_mem>>) src(%dma_wait3A_303 : memref<128x256xf32, #tpu.memory_space<vmem>>) dst(%dma_wait3A_299 : memref<128x256xf32, #tpu.memory_space<hbm>>)
            "tpu.trace_stop"() : () -> ()
          } else {
          }
          %and3A_268 = arith.constant true
          %and3A_269 = arith.andi %and3A_264, %and3A_268 : i1
          %add3A_270 = arith.constant 1 : i32
          %add3A_271 = arith.addi %while3A_139, %add3A_270 : i32
          %select_n3A_272 = arith.select %and3A_269, %add3A_271, %while3A_139 : i32
          %ne3A_273 = arith.cmpi ne, %add3A_148, %add3A_166 : i32
          %or3A_274 = arith.constant false
          %or3A_275 = arith.ori %or3A_274, %ne3A_273 : i1
          %or3A_276 = arith.ori %or3A_275, %eq3A_147 : i1
          %add3A_277 = arith.constant 1 : i32
          %add3A_278 = arith.addi %while3A_137, %add3A_277 : i32
          %select_n3A_279 = arith.select %or3A_276, %add3A_278, %while3A_137 : i32
          %add3A_280 = arith.constant 1 : i32
          %add3A_281 = arith.addi %while3A_140, %add3A_280 : i32
          %select_n3A_282 = arith.constant true
          %select_n3A_283 = arith.select %select_n3A_282, %add3A_281, %while3A_140 : i32
          %eq3A_284 = arith.cmpi eq, %select_n3A_283, %select_n3A : i32
          %select_n3A_285 = arith.constant 0 : i32
          %select_n3A_286 = arith.select %eq3A_284, %select_n3A_285, %select_n3A_283 : i32
          scf.yield %select_n3A_188, %select_n3A_279, %select_n3A_245, %select_n3A_272, %select_n3A_286 : i32, i32, i32, i32, i32
        }
        %while3A_82 = arith.constant 1 : i32
        %while3A_83:5 = scf.for %while3A_135 = %while3A_79 to %while3A_75 step %while3A_82 iter_args(%while3A_136 = %while3A_81#0, %while3A_137 = %while3A_81#1, %while3A_138 = %while3A_81#2, %while3A_139 = %while3A_81#3, %while3A_140 = %while3A_81#4) -> (i32, i32, i32, i32, i32)  : i32 {
          %mul3A_141 = arith.constant 1 : i32
          %mul3A_142 = arith.muli %mul3A_141, %select_n3A : i32
          %eq3A_143 = arith.constant 0 : i32
          %eq3A_144 = arith.cmpi eq, %while3A_135, %eq3A_143 : i32
          %sub3A_145 = arith.constant 1 : i32
          %sub3A_146 = arith.subi %mul3A_142, %sub3A_145 : i32
          %eq3A_147 = arith.cmpi eq, %while3A_135, %sub3A_146 : i32
          %add3A_148 = arith.addi %while3A_140, %select_n3A_7 : i32
          %sub3A_149 = arith.constant 1 : i32
          %sub3A_150 = arith.subi %while3A_140, %sub3A_149 : i32
          %select_n3A_151 = arith.constant true
          %select_n3A_152 = arith.select %select_n3A_151, %sub3A_150, %while3A_140 : i32
          %eq3A_153 = arith.constant -1 : i32
          %eq3A_154 = arith.cmpi eq, %select_n3A_152, %eq3A_153 : i32
          %sub3A_155 = arith.constant 1 : i32
          %sub3A_156 = arith.subi %select_n3A, %sub3A_155 : i32
          %select_n3A_157 = arith.select %eq3A_154, %sub3A_156, %select_n3A_152 : i32
          %add3A_158 = arith.addi %select_n3A_157, %select_n3A_7 : i32
          %add3A_159 = arith.constant 1 : i32
          %add3A_160 = arith.addi %while3A_140, %add3A_159 : i32
          %select_n3A_161 = arith.constant true
          %select_n3A_162 = arith.select %select_n3A_161, %add3A_160, %while3A_140 : i32
          %eq3A_163 = arith.cmpi eq, %select_n3A_162, %select_n3A : i32
          %select_n3A_164 = arith.constant 0 : i32
          %select_n3A_165 = arith.select %eq3A_163, %select_n3A_164, %select_n3A_162 : i32
          %add3A_166 = arith.addi %select_n3A_165, %select_n3A_7 : i32
          %add3A_167 = arith.constant 1 : i32
          %add3A_168 = arith.addi %select_n3A_165, %add3A_167 : i32
          %select_n3A_169 = arith.constant true
          %select_n3A_170 = arith.select %select_n3A_169, %add3A_168, %select_n3A_165 : i32
          %eq3A_171 = arith.cmpi eq, %select_n3A_170, %select_n3A : i32
          %select_n3A_172 = arith.constant 0 : i32
          %select_n3A_173 = arith.select %eq3A_171, %select_n3A_172, %select_n3A_170 : i32
          %add3A_174 = arith.addi %select_n3A_173, %select_n3A_7 : i32
          %ne3A = arith.cmpi ne, %add3A_148, %add3A_166 : i32
          %or3A = arith.constant false
          %or3A_175 = arith.ori %or3A, %ne3A : i1
          %sub3A_176 = arith.constant 2 : i32
          %sub3A_177 = arith.subi %mul3A_142, %sub3A_176 : i32
          %add3A_178 = arith.constant 1 : i32
          %add3A_179 = arith.addi %sub3A_177, %add3A_178 : i32
          %ge3A = arith.cmpi sge, %while3A_135, %add3A_179 : i32
          %not3A = arith.constant true
          %not3A_180 = arith.xori %ge3A, %not3A : i1
          %and3A = arith.andi %or3A_175, %not3A_180 : i1
          %convert_element_type3A_181 = arith.extui %and3A : i1 to i32
          %cond3A_182 = arith.constant 0 : i32
          %cond3A_183 = arith.cmpi ne, %convert_element_type3A_181, %cond3A_182 : i32
          scf.if %cond3A_183 {
            "tpu.trace_start"() <{level = 10 : i32, message = "ep_copy_in"}> : () -> ()
            %rem3A_287 = arith.constant 2 : i32
            %rem3A_288 = arith.remui %while3A_136, %rem3A_287 : i32
            %mul3A_289 = arith.constant 128 : i32
            %mul3A_290 = arith.muli %mul3A_289, %add3A_166 : i32
            %dma_start3A_291 = arith.constant 0 : i32
            %dma_start3A_292 = arith.constant 0 : i32
            %dma_start3A_293 = tpu.memref_slice %run_scoped3A[%rem3A_288, %dma_start3A_291, %dma_start3A_292] : memref<2x1x128xi32, #tpu.memory_space<vmem>> -> memref<1x1x128xi32, #tpu.memory_space<vmem>>
            %dma_start3A_294 = tpu.memref_squeeze %dma_start3A_293 : memref<1x1x128xi32, #tpu.memory_space<vmem>> -> memref<1x128xi32, #tpu.memory_space<vmem>>
            %dma_start3A_295 = arith.constant 0 : i32
            %dma_start3A_296 = tpu.memref_slice %arg3[%dma_start3A_295, %mul3A_290] : memref<1x512xi32, #tpu.memory_space<hbm>> -> memref<1x128xi32, #tpu.memory_space<hbm>>
            %dma_start3A_297 = tpu.memref_slice %run_scoped3A_10[%rem3A_288] : memref<2x!tpu.dma_semaphore, #tpu.memory_space<semaphore_mem>> -> memref<1x!tpu.dma_semaphore, #tpu.memory_space<semaphore_mem>>
            %dma_start3A_298 = tpu.memref_squeeze %dma_start3A_297 : memref<1x!tpu.dma_semaphore, #tpu.memory_space<semaphore_mem>> -> memref<!tpu.dma_semaphore, #tpu.memory_space<semaphore_mem>>
            %dma_start3A_299 = arith.constant 0 : i32
            %dma_start3A_300 = arith.constant 0 : i32
            %dma_start3A_301 = tpu.memref_slice %run_scoped3A[%rem3A_288, %dma_start3A_299, %dma_start3A_300] : memref<2x1x128xi32, #tpu.memory_space<vmem>> -> memref<1x1x128xi32, #tpu.memory_space<vmem>>
            %dma_start3A_302 = tpu.memref_squeeze %dma_start3A_301 : memref<1x1x128xi32, #tpu.memory_space<vmem>> -> memref<1x128xi32, #tpu.memory_space<vmem>>
            %dma_start3A_303 = arith.constant 0 : i32
            %dma_start3A_304 = tpu.memref_slice %arg3[%dma_start3A_303, %mul3A_290] : memref<1x512xi32, #tpu.memory_space<hbm>> -> memref<1x128xi32, #tpu.memory_space<hbm>>
            tpu.enqueue_dma source(%dma_start3A_304 : memref<1x128xi32, #tpu.memory_space<hbm>>) target(%dma_start3A_302 : memref<1x128xi32, #tpu.memory_space<vmem>>) target_semaphore(%dma_start3A_298 : memref<!tpu.dma_semaphore, #tpu.memory_space<semaphore_mem>>)
            "tpu.trace_stop"() : () -> ()
          } else {
          }
          %and3A_184 = arith.constant true
          %and3A_185 = arith.andi %and3A, %and3A_184 : i1
          %add3A_186 = arith.constant 1 : i32
          %add3A_187 = arith.addi %while3A_136, %add3A_186 : i32
          %select_n3A_188 = arith.select %and3A_185, %add3A_187, %while3A_136 : i32
          %ne3A_189 = arith.cmpi ne, %add3A_148, %add3A_166 : i32
          %or3A_190 = arith.constant false
          %or3A_191 = arith.ori %or3A_190, %ne3A_189 : i1
          %or3A_192 = arith.constant false
          %or3A_193 = arith.ori %or3A_191, %or3A_192 : i1
          %sub3A_194 = arith.constant 2 : i32
          %sub3A_195 = arith.subi %mul3A_142, %sub3A_194 : i32
          %add3A_196 = arith.constant 1 : i32
          %add3A_197 = arith.addi %sub3A_195, %add3A_196 : i32
          %ge3A_198 = arith.cmpi sge, %while3A_135, %add3A_197 : i32
          %not3A_199 = arith.constant true
          %not3A_200 = arith.xori %ge3A_198, %not3A_199 : i1
          %and3A_201 = arith.andi %or3A_193, %not3A_200 : i1
          %ne3A_202 = arith.cmpi ne, %add3A_148, %add3A_158 : i32
          %or3A_203 = arith.constant false
          %or3A_204 = arith.ori %or3A_203, %ne3A_202 : i1
          %or3A_205 = arith.ori %or3A_204, %eq3A_144 : i1
          %convert_element_type3A_206 = arith.extui %or3A_205 : i1 to i32
          %cond3A_207 = arith.constant 0 : i32
          %cond3A_208 = arith.cmpi ne, %convert_element_type3A_206, %cond3A_207 : i32
          scf.if %cond3A_208 {
            "tpu.trace_start"() <{level = 10 : i32, message = "ep_wait_in"}> : () -> ()
            %mul3A_287 = arith.constant 128 : i32
            %mul3A_288 = arith.muli %mul3A_287, %add3A_148 : i32
            %rem3A_289 = arith.constant 2 : i32
            %rem3A_290 = arith.remui %while3A_137, %rem3A_289 : i32
            %dma_wait3A = arith.constant 0 : i32
            %dma_wait3A_291 = arith.constant 0 : i32
            %dma_wait3A_292 = tpu.memref_slice %run_scoped3A[%rem3A_290, %dma_wait3A, %dma_wait3A_291] : memref<2x1x128xi32, #tpu.memory_space<vmem>> -> memref<1x1x128xi32, #tpu.memory_space<vmem>>
            %dma_wait3A_293 = tpu.memref_squeeze %dma_wait3A_292 : memref<1x1x128xi32, #tpu.memory_space<vmem>> -> memref<1x128xi32, #tpu.memory_space<vmem>>
            %dma_wait3A_294 = arith.constant 0 : i32
            %dma_wait3A_295 = tpu.memref_slice %arg3[%dma_wait3A_294, %mul3A_288] : memref<1x512xi32, #tpu.memory_space<hbm>> -> memref<1x128xi32, #tpu.memory_space<hbm>>
            %dma_wait3A_296 = tpu.memref_slice %run_scoped3A_10[%rem3A_290] : memref<2x!tpu.dma_semaphore, #tpu.memory_space<semaphore_mem>> -> memref<1x!tpu.dma_semaphore, #tpu.memory_space<semaphore_mem>>
            %dma_wait3A_297 = tpu.memref_squeeze %dma_wait3A_296 : memref<1x!tpu.dma_semaphore, #tpu.memory_space<semaphore_mem>> -> memref<!tpu.dma_semaphore, #tpu.memory_space<semaphore_mem>>
            %dma_wait3A_298 = arith.constant 0 : i32
            %dma_wait3A_299 = arith.constant 0 : i32
            %dma_wait3A_300 = tpu.memref_slice %run_scoped3A[%rem3A_290, %dma_wait3A_298, %dma_wait3A_299] : memref<2x1x128xi32, #tpu.memory_space<vmem>> -> memref<1x1x128xi32, #tpu.memory_space<vmem>>
            %dma_wait3A_301 = tpu.memref_squeeze %dma_wait3A_300 : memref<1x1x128xi32, #tpu.memory_space<vmem>> -> memref<1x128xi32, #tpu.memory_space<vmem>>
            %dma_wait3A_302 = arith.constant 0 : i32
            %dma_wait3A_303 = tpu.memref_slice %arg3[%dma_wait3A_302, %mul3A_288] : memref<1x512xi32, #tpu.memory_space<hbm>> -> memref<1x128xi32, #tpu.memory_space<hbm>>
            tpu.wait_dma2 semaphore(%dma_wait3A_297 : memref<!tpu.dma_semaphore, #tpu.memory_space<semaphore_mem>>) src(%dma_wait3A_303 : memref<1x128xi32, #tpu.memory_space<hbm>>) dst(%dma_wait3A_301 : memref<1x128xi32, #tpu.memory_space<vmem>>)
            "tpu.trace_stop"() : () -> ()
          } else {
          }
          %ne3A_209 = arith.cmpi ne, %add3A_148, %add3A_158 : i32
          %or3A_210 = arith.constant false
          %or3A_211 = arith.ori %or3A_210, %ne3A_209 : i1
          %or3A_212 = arith.constant false
          %or3A_213 = arith.ori %or3A_211, %or3A_212 : i1
          %or3A_214 = arith.ori %or3A_213, %eq3A_144 : i1
          %convert_element_type3A_215 = arith.extui %or3A_214 : i1 to i32
          %cond3A_216 = arith.constant 0 : i32
          %cond3A_217 = arith.cmpi ne, %convert_element_type3A_215, %cond3A_216 : i32
          scf.if %cond3A_217 {
          } else {
          }
          %rem3A_218 = arith.constant 2 : i32
          %rem3A_219 = arith.remui %while3A_137, %rem3A_218 : i32
          %rem3A_220 = arith.constant 2 : i32
          %rem3A_221 = arith.remui %while3A_138, %rem3A_220 : i32
          %run_scoped3A_222 = arith.constant 0 : i32
          "tpu.trace_start"() <{level = 10 : i32, message = "ep_run_kernel"}> : () -> ()
          "tpu.region"() ({
            %run_scoped3A_287 = tpu.sem_alloc : memref<!tpu.dma_semaphore, #tpu.memory_space<semaphore_mem>>
            %dma_start3A_288 = arith.constant 0 : i32
            %dma_start3A_289 = arith.constant 0 : i32
            %dma_start3A_290 = tpu.memref_slice %run_scoped3A_11[%rem3A_221, %dma_start3A_288, %dma_start3A_289] : memref<2x128x256xf32, #tpu.memory_space<vmem>> -> memref<1x128x256xf32, #tpu.memory_space<vmem>>
            %dma_start3A_291 = tpu.memref_squeeze %dma_start3A_290 : memref<1x128x256xf32, #tpu.memory_space<vmem>> -> memref<128x256xf32, #tpu.memory_space<vmem>>
            %dma_start3A_292 = arith.constant 0 : i32
            %dma_start3A_293 = arith.constant 0 : i32
            %dma_start3A_294 = tpu.memref_slice %run_scoped3A[%rem3A_219, %dma_start3A_292, %dma_start3A_293] : memref<2x1x128xi32, #tpu.memory_space<vmem>> -> memref<1x1x128xi32, #tpu.memory_space<vmem>>
            %dma_start3A_295 = tpu.memref_squeeze %dma_start3A_294 : memref<1x1x128xi32, #tpu.memory_space<vmem>> -> memref<1x128xi32, #tpu.memory_space<vmem>>
            %dma_start3A_296 = arith.constant 0 : i32
            %dma_start3A_297 = tpu.memref_slice %dma_start3A_295[%run_scoped3A_222, %dma_start3A_296] : memref<1x128xi32, #tpu.memory_space<vmem>> -> memref<1x128xi32, #tpu.memory_space<vmem>>
            %dma_start3A_298 = tpu.memref_squeeze %dma_start3A_297 : memref<1x128xi32, #tpu.memory_space<vmem>> -> memref<128xi32, #tpu.memory_space<vmem>>
            %dma_start3A_299 = arith.constant 0 : i32
            %dma_start3A_300 = arith.constant 0 : i32
            %dma_start3A_301 = tpu.memref_slice %arg2[%dma_start3A_299, %dma_start3A_300] : memref<100000x256xf32, #tpu.memory_space<hbm>> -> memref<100000x256xf32, #tpu.memory_space<hbm>>
            tpu.enqueue_indirect_dma source(%dma_start3A_301 : memref<100000x256xf32, #tpu.memory_space<hbm>>) target(%dma_start3A_291 : memref<128x256xf32, #tpu.memory_space<vmem>>) offsets(%dma_start3A_298 : memref<128xi32, #tpu.memory_space<vmem>>) semaphore(%run_scoped3A_287 : memref<!tpu.dma_semaphore, #tpu.memory_space<semaphore_mem>>)
            %dma_wait3A = arith.constant 0 : i32
            %dma_wait3A_302 = arith.constant 0 : i32
            %dma_wait3A_303 = tpu.memref_slice %run_scoped3A_11[%rem3A_221, %dma_wait3A, %dma_wait3A_302] : memref<2x128x256xf32, #tpu.memory_space<vmem>> -> memref<1x128x256xf32, #tpu.memory_space<vmem>>
            %dma_wait3A_304 = tpu.memref_squeeze %dma_wait3A_303 : memref<1x128x256xf32, #tpu.memory_space<vmem>> -> memref<128x256xf32, #tpu.memory_space<vmem>>
            %dma_wait3A_305 = arith.constant 0 : i32
            %dma_wait3A_306 = arith.constant 0 : i32
            %dma_wait3A_307 = tpu.memref_slice %run_scoped3A[%rem3A_219, %dma_wait3A_305, %dma_wait3A_306] : memref<2x1x128xi32, #tpu.memory_space<vmem>> -> memref<1x1x128xi32, #tpu.memory_space<vmem>>
            %dma_wait3A_308 = tpu.memref_squeeze %dma_wait3A_307 : memref<1x1x128xi32, #tpu.memory_space<vmem>> -> memref<1x128xi32, #tpu.memory_space<vmem>>
            %dma_wait3A_309 = arith.constant 0 : i32
            %dma_wait3A_310 = tpu.memref_slice %dma_wait3A_308[%run_scoped3A_222, %dma_wait3A_309] : memref<1x128xi32, #tpu.memory_space<vmem>> -> memref<1x128xi32, #tpu.memory_space<vmem>>
            %dma_wait3A_311 = tpu.memref_squeeze %dma_wait3A_310 : memref<1x128xi32, #tpu.memory_space<vmem>> -> memref<128xi32, #tpu.memory_space<vmem>>
            %dma_wait3A_312 = arith.constant 0 : i32
            %dma_wait3A_313 = arith.constant 0 : i32
            %dma_wait3A_314 = tpu.memref_slice %arg2[%dma_wait3A_312, %dma_wait3A_313] : memref<100000x256xf32, #tpu.memory_space<hbm>> -> memref<100000x256xf32, #tpu.memory_space<hbm>>
            tpu.wait_indirect_dma semaphore(%run_scoped3A_287 : memref<!tpu.dma_semaphore, #tpu.memory_space<semaphore_mem>>) src(%dma_wait3A_314 : memref<100000x256xf32, #tpu.memory_space<hbm>>) dst(%dma_wait3A_304 : memref<128x256xf32, #tpu.memory_space<vmem>>)
            tpu.yield
          }) : () -> ()
          "tpu.trace_stop"() : () -> ()
          %ne3A_223 = arith.cmpi ne, %add3A_148, %add3A_166 : i32
          %or3A_224 = arith.constant false
          %or3A_225 = arith.ori %or3A_224, %ne3A_223 : i1
          %or3A_226 = arith.ori %or3A_225, %eq3A_147 : i1
          %convert_element_type3A_227 = arith.extui %or3A_226 : i1 to i32
          %cond3A_228 = arith.constant 0 : i32
          %cond3A_229 = arith.cmpi ne, %convert_element_type3A_227, %cond3A_228 : i32
          scf.if %cond3A_229 {
          } else {
          }
          %and3A_230 = arith.constant false
          %and3A_231 = arith.andi %or3A_226, %and3A_230 : i1
          %ne3A_232 = arith.cmpi ne, %add3A_148, %add3A_166 : i32
          %or3A_233 = arith.constant false
          %or3A_234 = arith.ori %or3A_233, %ne3A_232 : i1
          %or3A_235 = arith.constant false
          %or3A_236 = arith.ori %or3A_234, %or3A_235 : i1
          %or3A_237 = arith.ori %or3A_236, %eq3A_147 : i1
          %convert_element_type3A_238 = arith.extui %or3A_237 : i1 to i32
          %cond3A_239 = arith.constant 0 : i32
          %cond3A_240 = arith.cmpi ne, %convert_element_type3A_238, %cond3A_239 : i32
          scf.if %cond3A_240 {
            "tpu.trace_start"() <{level = 10 : i32, message = "ep_copy_out"}> : () -> ()
            %rem3A_287 = arith.constant 2 : i32
            %rem3A_288 = arith.remui %while3A_138, %rem3A_287 : i32
            %mul3A_289 = arith.constant 128 : i32
            %mul3A_290 = arith.muli %mul3A_289, %add3A_148 : i32
            %dma_start3A_291 = arith.constant 0 : i32
            %dma_start3A_292 = arith.constant 0 : i32
            %dma_start3A_293 = tpu.memref_slice %run_scoped3A_11[%rem3A_288, %dma_start3A_291, %dma_start3A_292] : memref<2x128x256xf32, #tpu.memory_space<vmem>> -> memref<1x128x256xf32, #tpu.memory_space<vmem>>
            %dma_start3A_294 = tpu.memref_squeeze %dma_start3A_293 : memref<1x128x256xf32, #tpu.memory_space<vmem>> -> memref<128x256xf32, #tpu.memory_space<vmem>>
            %dma_start3A_295 = arith.constant 0 : i32
            %dma_start3A_296 = tpu.memref_slice %arg4[%mul3A_290, %dma_start3A_295] : memref<512x256xf32, #tpu.memory_space<hbm>> -> memref<128x256xf32, #tpu.memory_space<hbm>>
            %dma_start3A_297 = tpu.memref_slice %run_scoped3A_12[%rem3A_288] : memref<2x!tpu.dma_semaphore, #tpu.memory_space<semaphore_mem>> -> memref<1x!tpu.dma_semaphore, #tpu.memory_space<semaphore_mem>>
            %dma_start3A_298 = tpu.memref_squeeze %dma_start3A_297 : memref<1x!tpu.dma_semaphore, #tpu.memory_space<semaphore_mem>> -> memref<!tpu.dma_semaphore, #tpu.memory_space<semaphore_mem>>
            %dma_start3A_299 = arith.constant 0 : i32
            %dma_start3A_300 = tpu.memref_slice %arg4[%mul3A_290, %dma_start3A_299] : memref<512x256xf32, #tpu.memory_space<hbm>> -> memref<128x256xf32, #tpu.memory_space<hbm>>
            %dma_start3A_301 = arith.constant 0 : i32
            %dma_start3A_302 = arith.constant 0 : i32
            %dma_start3A_303 = tpu.memref_slice %run_scoped3A_11[%rem3A_288, %dma_start3A_301, %dma_start3A_302] : memref<2x128x256xf32, #tpu.memory_space<vmem>> -> memref<1x128x256xf32, #tpu.memory_space<vmem>>
            %dma_start3A_304 = tpu.memref_squeeze %dma_start3A_303 : memref<1x128x256xf32, #tpu.memory_space<vmem>> -> memref<128x256xf32, #tpu.memory_space<vmem>>
            tpu.enqueue_dma source(%dma_start3A_304 : memref<128x256xf32, #tpu.memory_space<vmem>>) target(%dma_start3A_300 : memref<128x256xf32, #tpu.memory_space<hbm>>) target_semaphore(%dma_start3A_298 : memref<!tpu.dma_semaphore, #tpu.memory_space<semaphore_mem>>)
            "tpu.trace_stop"() : () -> ()
          } else {
          }
          %and3A_241 = arith.constant true
          %and3A_242 = arith.andi %or3A_237, %and3A_241 : i1
          %add3A_243 = arith.constant 1 : i32
          %add3A_244 = arith.addi %while3A_138, %add3A_243 : i32
          %select_n3A_245 = arith.select %and3A_242, %add3A_244, %while3A_138 : i32
          %ne3A_246 = arith.cmpi ne, %add3A_148, %add3A_158 : i32
          %or3A_247 = arith.constant false
          %or3A_248 = arith.ori %or3A_247, %ne3A_246 : i1
          %not3A_249 = arith.constant true
          %not3A_250 = arith.xori %eq3A_144, %not3A_249 : i1
          %and3A_251 = arith.andi %or3A_248, %not3A_250 : i1
          %convert_element_type3A_252 = arith.extui %and3A_251 : i1 to i32
          %cond3A_253 = arith.constant 0 : i32
          %cond3A_254 = arith.cmpi ne, %convert_element_type3A_252, %cond3A_253 : i32
          scf.if %cond3A_254 {
          } else {
          }
          %and3A_255 = arith.constant false
          %and3A_256 = arith.andi %and3A_251, %and3A_255 : i1
          %ne3A_257 = arith.cmpi ne, %add3A_148, %add3A_158 : i32
          %or3A_258 = arith.constant false
          %or3A_259 = arith.ori %or3A_258, %ne3A_257 : i1
          %or3A_260 = arith.constant false
          %or3A_261 = arith.ori %or3A_259, %or3A_260 : i1
          %not3A_262 = arith.constant true
          %not3A_263 = arith.xori %eq3A_144, %not3A_262 : i1
          %and3A_264 = arith.andi %or3A_261, %not3A_263 : i1
          %convert_element_type3A_265 = arith.extui %and3A_264 : i1 to i32
          %cond3A_266 = arith.constant 0 : i32
          %cond3A_267 = arith.cmpi ne, %convert_element_type3A_265, %cond3A_266 : i32
          scf.if %cond3A_267 {
            "tpu.trace_start"() <{level = 10 : i32, message = "ep_wait_out"}> : () -> ()
            %rem3A_287 = arith.constant 2 : i32
            %rem3A_288 = arith.remui %while3A_139, %rem3A_287 : i32
            %mul3A_289 = arith.constant 128 : i32
            %mul3A_290 = arith.muli %mul3A_289, %add3A_158 : i32
            %dma_wait3A = arith.constant 0 : i32
            %dma_wait3A_291 = arith.constant 0 : i32
            %dma_wait3A_292 = tpu.memref_slice %run_scoped3A_11[%rem3A_288, %dma_wait3A, %dma_wait3A_291] : memref<2x128x256xf32, #tpu.memory_space<vmem>> -> memref<1x128x256xf32, #tpu.memory_space<vmem>>
            %dma_wait3A_293 = tpu.memref_squeeze %dma_wait3A_292 : memref<1x128x256xf32, #tpu.memory_space<vmem>> -> memref<128x256xf32, #tpu.memory_space<vmem>>
            %dma_wait3A_294 = arith.constant 0 : i32
            %dma_wait3A_295 = tpu.memref_slice %arg4[%mul3A_290, %dma_wait3A_294] : memref<512x256xf32, #tpu.memory_space<hbm>> -> memref<128x256xf32, #tpu.memory_space<hbm>>
            %dma_wait3A_296 = tpu.memref_slice %run_scoped3A_12[%rem3A_288] : memref<2x!tpu.dma_semaphore, #tpu.memory_space<semaphore_mem>> -> memref<1x!tpu.dma_semaphore, #tpu.memory_space<semaphore_mem>>
            %dma_wait3A_297 = tpu.memref_squeeze %dma_wait3A_296 : memref<1x!tpu.dma_semaphore, #tpu.memory_space<semaphore_mem>> -> memref<!tpu.dma_semaphore, #tpu.memory_space<semaphore_mem>>
            %dma_wait3A_298 = arith.constant 0 : i32
            %dma_wait3A_299 = tpu.memref_slice %arg4[%mul3A_290, %dma_wait3A_298] : memref<512x256xf32, #tpu.memory_space<hbm>> -> memref<128x256xf32, #tpu.memory_space<hbm>>
            %dma_wait3A_300 = arith.constant 0 : i32
            %dma_wait3A_301 = arith.constant 0 : i32
            %dma_wait3A_302 = tpu.memref_slice %run_scoped3A_11[%rem3A_288, %dma_wait3A_300, %dma_wait3A_301] : memref<2x128x256xf32, #tpu.memory_space<vmem>> -> memref<1x128x256xf32, #tpu.memory_space<vmem>>
            %dma_wait3A_303 = tpu.memref_squeeze %dma_wait3A_302 : memref<1x128x256xf32, #tpu.memory_space<vmem>> -> memref<128x256xf32, #tpu.memory_space<vmem>>
            tpu.wait_dma2 semaphore(%dma_wait3A_297 : memref<!tpu.dma_semaphore, #tpu.memory_space<semaphore_mem>>) src(%dma_wait3A_303 : memref<128x256xf32, #tpu.memory_space<vmem>>) dst(%dma_wait3A_299 : memref<128x256xf32, #tpu.memory_space<hbm>>)
            "tpu.trace_stop"() : () -> ()
          } else {
          }
          %and3A_268 = arith.constant true
          %and3A_269 = arith.andi %and3A_264, %and3A_268 : i1
          %add3A_270 = arith.constant 1 : i32
          %add3A_271 = arith.addi %while3A_139, %add3A_270 : i32
          %select_n3A_272 = arith.select %and3A_269, %add3A_271, %while3A_139 : i32
          %ne3A_273 = arith.cmpi ne, %add3A_148, %add3A_166 : i32
          %or3A_274 = arith.constant false
          %or3A_275 = arith.ori %or3A_274, %ne3A_273 : i1
          %or3A_276 = arith.ori %or3A_275, %eq3A_147 : i1
          %add3A_277 = arith.constant 1 : i32
          %add3A_278 = arith.addi %while3A_137, %add3A_277 : i32
          %select_n3A_279 = arith.select %or3A_276, %add3A_278, %while3A_137 : i32
          %add3A_280 = arith.constant 1 : i32
          %add3A_281 = arith.addi %while3A_140, %add3A_280 : i32
          %select_n3A_282 = arith.constant true
          %select_n3A_283 = arith.select %select_n3A_282, %add3A_281, %while3A_140 : i32
          %eq3A_284 = arith.cmpi eq, %select_n3A_283, %select_n3A : i32
          %select_n3A_285 = arith.constant 0 : i32
          %select_n3A_286 = arith.select %eq3A_284, %select_n3A_285, %select_n3A_283 : i32
          scf.yield %select_n3A_188, %select_n3A_279, %select_n3A_245, %select_n3A_272, %select_n3A_286 : i32, i32, i32, i32, i32
        }
        %sub3A_84 = arith.constant 1 : i32
        %sub3A_85 = arith.subi %while3A_83#4, %sub3A_84 : i32
        %select_n3A_86 = arith.constant true
        %select_n3A_87 = arith.select %select_n3A_86, %sub3A_85, %while3A_83#4 : i32
        %eq3A_88 = arith.constant -1 : i32
        %eq3A_89 = arith.cmpi eq, %select_n3A_87, %eq3A_88 : i32
        %sub3A_90 = arith.constant 1 : i32
        %sub3A_91 = arith.subi %select_n3A, %sub3A_90 : i32
        %select_n3A_92 = arith.select %eq3A_89, %sub3A_91, %select_n3A_87 : i32
        %sub3A_93 = arith.constant 1 : i32
        %sub3A_94 = arith.subi %mul3A_9, %sub3A_93 : i32
        %mul3A_95 = arith.constant 1 : i32
        %mul3A_96 = arith.muli %mul3A_95, %select_n3A : i32
        %eq3A_97 = arith.constant 0 : i32
        %eq3A_98 = arith.cmpi eq, %sub3A_94, %eq3A_97 : i32
        %sub3A_99 = arith.constant 1 : i32
        %sub3A_100 = arith.subi %mul3A_96, %sub3A_99 : i32
        %eq3A_101 = arith.cmpi eq, %sub3A_94, %sub3A_100 : i32
        %add3A_102 = arith.addi %select_n3A_92, %select_n3A_7 : i32
        %sub3A_103 = arith.constant 1 : i32
        %sub3A_104 = arith.subi %select_n3A_92, %sub3A_103 : i32
        %select_n3A_105 = arith.constant true
        %select_n3A_106 = arith.select %select_n3A_105, %sub3A_104, %select_n3A_92 : i32
        %eq3A_107 = arith.constant -1 : i32
        %eq3A_108 = arith.cmpi eq, %select_n3A_106, %eq3A_107 : i32
        %sub3A_109 = arith.constant 1 : i32
        %sub3A_110 = arith.subi %select_n3A, %sub3A_109 : i32
        %select_n3A_111 = arith.select %eq3A_108, %sub3A_110, %select_n3A_106 : i32
        %add3A_112 = arith.addi %select_n3A_111, %select_n3A_7 : i32
        %add3A_113 = arith.constant 1 : i32
        %add3A_114 = arith.addi %select_n3A_92, %add3A_113 : i32
        %select_n3A_115 = arith.constant true
        %select_n3A_116 = arith.select %select_n3A_115, %add3A_114, %select_n3A_92 : i32
        %eq3A_117 = arith.cmpi eq, %select_n3A_116, %select_n3A : i32
        %select_n3A_118 = arith.constant 0 : i32
        %select_n3A_119 = arith.select %eq3A_117, %select_n3A_118, %select_n3A_116 : i32
        %add3A_120 = arith.addi %select_n3A_119, %select_n3A_7 : i32
        %add3A_121 = arith.constant 1 : i32
        %add3A_122 = arith.addi %select_n3A_119, %add3A_121 : i32
        %select_n3A_123 = arith.constant true
        %select_n3A_124 = arith.select %select_n3A_123, %add3A_122, %select_n3A_119 : i32
        %eq3A_125 = arith.cmpi eq, %select_n3A_124, %select_n3A : i32
        %select_n3A_126 = arith.constant 0 : i32
        %select_n3A_127 = arith.select %eq3A_125, %select_n3A_126, %select_n3A_124 : i32
        %add3A_128 = arith.addi %select_n3A_127, %select_n3A_7 : i32
        %convert_element_type3A_129 = arith.extui %eq3A_101 : i1 to i32
        %cond3A_130 = arith.constant 0 : i32
        %cond3A_131 = arith.cmpi ne, %convert_element_type3A_129, %cond3A_130 : i32
        scf.if %cond3A_131 {
        } else {
        }
        %convert_element_type3A_132 = arith.extui %eq3A_101 : i1 to i32
        %cond3A_133 = arith.constant 0 : i32
        %cond3A_134 = arith.cmpi ne, %convert_element_type3A_132, %cond3A_133 : i32
        scf.if %cond3A_134 {
          "tpu.trace_start"() <{level = 10 : i32, message = "ep_finalize"}> : () -> ()
          %rem3A_135 = arith.constant 2 : i32
          %rem3A_136 = arith.remui %while3A_83#3, %rem3A_135 : i32
          %mul3A_137 = arith.constant 128 : i32
          %mul3A_138 = arith.muli %mul3A_137, %add3A_102 : i32
          %dma_wait3A = arith.constant 0 : i32
          %dma_wait3A_139 = arith.constant 0 : i32
          %dma_wait3A_140 = tpu.memref_slice %run_scoped3A_11[%rem3A_136, %dma_wait3A, %dma_wait3A_139] : memref<2x128x256xf32, #tpu.memory_space<vmem>> -> memref<1x128x256xf32, #tpu.memory_space<vmem>>
          %dma_wait3A_141 = tpu.memref_squeeze %dma_wait3A_140 : memref<1x128x256xf32, #tpu.memory_space<vmem>> -> memref<128x256xf32, #tpu.memory_space<vmem>>
          %dma_wait3A_142 = arith.constant 0 : i32
          %dma_wait3A_143 = tpu.memref_slice %arg4[%mul3A_138, %dma_wait3A_142] : memref<512x256xf32, #tpu.memory_space<hbm>> -> memref<128x256xf32, #tpu.memory_space<hbm>>
          %dma_wait3A_144 = tpu.memref_slice %run_scoped3A_12[%rem3A_136] : memref<2x!tpu.dma_semaphore, #tpu.memory_space<semaphore_mem>> -> memref<1x!tpu.dma_semaphore, #tpu.memory_space<semaphore_mem>>
          %dma_wait3A_145 = tpu.memref_squeeze %dma_wait3A_144 : memref<1x!tpu.dma_semaphore, #tpu.memory_space<semaphore_mem>> -> memref<!tpu.dma_semaphore, #tpu.memory_space<semaphore_mem>>
          %dma_wait3A_146 = arith.constant 0 : i32
          %dma_wait3A_147 = tpu.memref_slice %arg4[%mul3A_138, %dma_wait3A_146] : memref<512x256xf32, #tpu.memory_space<hbm>> -> memref<128x256xf32, #tpu.memory_space<hbm>>
          %dma_wait3A_148 = arith.constant 0 : i32
          %dma_wait3A_149 = arith.constant 0 : i32
          %dma_wait3A_150 = tpu.memref_slice %run_scoped3A_11[%rem3A_136, %dma_wait3A_148, %dma_wait3A_149] : memref<2x128x256xf32, #tpu.memory_space<vmem>> -> memref<1x128x256xf32, #tpu.memory_space<vmem>>
          %dma_wait3A_151 = tpu.memref_squeeze %dma_wait3A_150 : memref<1x128x256xf32, #tpu.memory_space<vmem>> -> memref<128x256xf32, #tpu.memory_space<vmem>>
          tpu.wait_dma2 semaphore(%dma_wait3A_145 : memref<!tpu.dma_semaphore, #tpu.memory_space<semaphore_mem>>) src(%dma_wait3A_151 : memref<128x256xf32, #tpu.memory_space<vmem>>) dst(%dma_wait3A_147 : memref<128x256xf32, #tpu.memory_space<hbm>>)
          "tpu.trace_stop"() : () -> ()
        } else {
        }
      } else {
      }
      tpu.yield
    }) : () -> ()
    return
  }
}

module attributes {stable_mosaic.version = 14 : i64} {
  func.func @_gru_proj_body(%arg0: memref<512x256xf32, #tpu.memory_space<vmem>>, %arg1: memref<2x16x512xf32, #tpu.memory_space<vmem>>, %arg2: memref<256x1536xf32, #tpu.memory_space<vmem>>, %arg3: memref<512x1536xf32, #tpu.memory_space<vmem>>, %arg4: memref<1x1536xf32, #tpu.memory_space<vmem>>, %arg5: memref<1x1536xf32, #tpu.memory_space<vmem>>, %arg6: memref<512x1536xf32, #tpu.memory_space<vmem>>, %arg7: memref<512x1536xf32, #tpu.memory_space<vmem>>, %arg8: memref<1x1536xf32, #tpu.memory_space<vmem>>, %arg9: memref<1x1536xf32, #tpu.memory_space<vmem>>, %arg10: memref<512x512xf32, #tpu.memory_space<vmem>>, %arg11: memref<1x512xf32, #tpu.memory_space<vmem>>, %arg12: memref<512x256xf32, #tpu.memory_space<vmem>>, %arg13: memref<1x256xf32, #tpu.memory_space<vmem>>, %arg14: memref<320x256xf32, #tpu.memory_space<vmem>>, %arg15: memref<320x512xf32, #tpu.memory_space<vmem>>) attributes {dimension_semantics = [], scalar_prefetch = 0 : i64, scratch_operands = 1 : i64, tpu.core_type = #tpu.core_type<tc>} {
    %get3A = arith.constant 0 : index
    %get3A_0 = arith.constant 0 : index
    %get3A_1 = arith.constant 0 : index
    %get3A_2 = vector.load %arg1[%get3A, %get3A_0, %get3A_1] : memref<2x16x512xf32, #tpu.memory_space<vmem>>, vector<1x16x512xf32>
    %get3A_3 = vector.shape_cast %get3A_2 : vector<1x16x512xf32> to vector<16x512xf32>
    %get3A_4 = arith.constant 1 : index
    %get3A_5 = arith.constant 0 : index
    %get3A_6 = arith.constant 0 : index
    %get3A_7 = vector.load %arg1[%get3A_4, %get3A_5, %get3A_6] : memref<2x16x512xf32, #tpu.memory_space<vmem>>, vector<1x16x512xf32>
    %get3A_8 = vector.shape_cast %get3A_7 : vector<1x16x512xf32> to vector<16x512xf32>
    %scan3A = arith.constant 0 : i32
    %scan3A_9 = arith.constant 20 : i32
    %scan3A_10 = arith.addi %scan3A, %scan3A_9 : i32
    %scan3A_11 = arith.constant 1 : i32
    %scan3A_12:2 = scf.for %scan3A_37 = %scan3A to %scan3A_10 step %scan3A_11 iter_args(%scan3A_38 = %get3A_3, %scan3A_39 = %get3A_8) -> (vector<16x512xf32>, vector<16x512xf32>)  : i32 {
      %mul3A = arith.constant 16 : i32
      %mul3A_40 = arith.muli %scan3A_37, %mul3A : i32
      %get3A_41 = arith.index_cast %mul3A_40 : i32 to index
      %get3A_42 = arith.constant 0 : index
      %get3A_43 = vector.load %arg0[%get3A_41, %get3A_42] : memref<512x256xf32, #tpu.memory_space<vmem>>, vector<16x256xf32>
      %get3A_44 = arith.constant 0 : index
      %get3A_45 = arith.constant 0 : index
      %get3A_46 = vector.load %arg2[%get3A_44, %get3A_45] : memref<256x1536xf32, #tpu.memory_space<vmem>>, vector<256x1536xf32>
      %get3A_47 = arith.constant 0 : index
      %get3A_48 = arith.constant 0 : index
      %get3A_49 = vector.load %arg3[%get3A_47, %get3A_48] : memref<512x1536xf32, #tpu.memory_space<vmem>>, vector<512x1536xf32>
      %get3A_50 = arith.constant 0 : index
      %get3A_51 = arith.constant 0 : index
      %get3A_52 = vector.load %arg4[%get3A_50, %get3A_51] : memref<1x1536xf32, #tpu.memory_space<vmem>>, vector<1x1536xf32>
      %get3A_53 = arith.constant 0 : index
      %get3A_54 = arith.constant 0 : index
      %get3A_55 = vector.load %arg5[%get3A_53, %get3A_54] : memref<1x1536xf32, #tpu.memory_space<vmem>>, vector<1x1536xf32>
      %dot_general3A_56 = arith.constant dense<0.000000e+00> : vector<16x1536xf32>
      %dot_general3A_57 = tpu.matmul %get3A_43, %get3A_46, %dot_general3A_56 {dimension_numbers = #tpu.dot_dimension_numbers<[1], [0], [0], [1], [0, 0, 1, 1], [], []>, transpose_lhs_hint = false} : vector<16x256xf32>, vector<256x1536xf32>, vector<16x1536xf32> -> vector<16x1536xf32>
      %add3A_58 = vector.broadcast %get3A_52 : vector<1x1536xf32> to vector<16x1536xf32>
      %add3A_59 = arith.addf %dot_general3A_57, %add3A_58 : vector<16x1536xf32>
      %dot_general3A_60 = arith.constant dense<0.000000e+00> : vector<16x1536xf32>
      %dot_general3A_61 = tpu.matmul %scan3A_38, %get3A_49, %dot_general3A_60 {dimension_numbers = #tpu.dot_dimension_numbers<[1], [0], [0], [1], [0, 0, 1, 1], [], []>, transpose_lhs_hint = false} : vector<16x512xf32>, vector<512x1536xf32>, vector<16x1536xf32> -> vector<16x1536xf32>
      %add3A_62 = vector.broadcast %get3A_55 : vector<1x1536xf32> to vector<16x1536xf32>
      %add3A_63 = arith.addf %dot_general3A_61, %add3A_62 : vector<16x1536xf32>
      %slice3A = vector.extract_strided_slice %add3A_59 {offsets = [0, 0], sizes = [16, 512], strides = [1, 1]} : vector<16x1536xf32> to vector<16x512xf32>
      %slice3A_64 = vector.extract_strided_slice %add3A_59 {offsets = [0, 512], sizes = [16, 512], strides = [1, 1]} : vector<16x1536xf32> to vector<16x512xf32>
      %slice3A_65 = vector.extract_strided_slice %add3A_59 {offsets = [0, 1024], sizes = [16, 512], strides = [1, 1]} : vector<16x1536xf32> to vector<16x512xf32>
      %slice3A_66 = vector.extract_strided_slice %add3A_63 {offsets = [0, 0], sizes = [16, 512], strides = [1, 1]} : vector<16x1536xf32> to vector<16x512xf32>
      %slice3A_67 = vector.extract_strided_slice %add3A_63 {offsets = [0, 512], sizes = [16, 512], strides = [1, 1]} : vector<16x1536xf32> to vector<16x512xf32>
      %slice3A_68 = vector.extract_strided_slice %add3A_63 {offsets = [0, 1024], sizes = [16, 512], strides = [1, 1]} : vector<16x1536xf32> to vector<16x512xf32>
      %add3A_69 = arith.addf %slice3A, %slice3A_66 : vector<16x512xf32>
      %logistic3A = arith.negf %add3A_69 : vector<16x512xf32>
      %logistic3A_70 = math.exp %logistic3A : vector<16x512xf32>
      %logistic3A_71 = arith.constant 1.000000e+00 : f32
      %logistic3A_72 = vector.broadcast %logistic3A_71 : f32 to vector<16x512xf32>
      %logistic3A_73 = arith.addf %logistic3A_72, %logistic3A_70 : vector<16x512xf32>
      %logistic3A_74 = arith.divf %logistic3A_72, %logistic3A_73 : vector<16x512xf32>
      %add3A_75 = arith.addf %slice3A_64, %slice3A_67 : vector<16x512xf32>
      %logistic3A_76 = arith.negf %add3A_75 : vector<16x512xf32>
      %logistic3A_77 = math.exp %logistic3A_76 : vector<16x512xf32>
      %logistic3A_78 = arith.constant 1.000000e+00 : f32
      %logistic3A_79 = vector.broadcast %logistic3A_78 : f32 to vector<16x512xf32>
      %logistic3A_80 = arith.addf %logistic3A_79, %logistic3A_77 : vector<16x512xf32>
      %logistic3A_81 = arith.divf %logistic3A_79, %logistic3A_80 : vector<16x512xf32>
      %mul3A_82 = arith.mulf %logistic3A_74, %slice3A_68 : vector<16x512xf32>
      %add3A_83 = arith.addf %slice3A_65, %mul3A_82 : vector<16x512xf32>
      %tanh3A_84 = math.tanh %add3A_83 : vector<16x512xf32>
      %sub3A = arith.constant 1.000000e+00 : f32
      %sub3A_85 = vector.broadcast %sub3A : f32 to vector<16x512xf32>
      %sub3A_86 = arith.subf %sub3A_85, %logistic3A_81 : vector<16x512xf32>
      %mul3A_87 = arith.mulf %sub3A_86, %tanh3A_84 : vector<16x512xf32>
      %mul3A_88 = arith.mulf %logistic3A_81, %scan3A_38 : vector<16x512xf32>
      %add3A_89 = arith.addf %mul3A_87, %mul3A_88 : vector<16x512xf32>
      %get3A_90 = arith.constant 0 : index
      %get3A_91 = arith.constant 0 : index
      %get3A_92 = vector.load %arg6[%get3A_90, %get3A_91] : memref<512x1536xf32, #tpu.memory_space<vmem>>, vector<512x1536xf32>
      %get3A_93 = arith.constant 0 : index
      %get3A_94 = arith.constant 0 : index
      %get3A_95 = vector.load %arg7[%get3A_93, %get3A_94] : memref<512x1536xf32, #tpu.memory_space<vmem>>, vector<512x1536xf32>
      %get3A_96 = arith.constant 0 : index
      %get3A_97 = arith.constant 0 : index
      %get3A_98 = vector.load %arg8[%get3A_96, %get3A_97] : memref<1x1536xf32, #tpu.memory_space<vmem>>, vector<1x1536xf32>
      %get3A_99 = arith.constant 0 : index
      %get3A_100 = arith.constant 0 : index
      %get3A_101 = vector.load %arg9[%get3A_99, %get3A_100] : memref<1x1536xf32, #tpu.memory_space<vmem>>, vector<1x1536xf32>
      %dot_general3A_102 = arith.constant dense<0.000000e+00> : vector<16x1536xf32>
      %dot_general3A_103 = tpu.matmul %add3A_89, %get3A_92, %dot_general3A_102 {dimension_numbers = #tpu.dot_dimension_numbers<[1], [0], [0], [1], [0, 0, 1, 1], [], []>, transpose_lhs_hint = false} : vector<16x512xf32>, vector<512x1536xf32>, vector<16x1536xf32> -> vector<16x1536xf32>
      %add3A_104 = vector.broadcast %get3A_98 : vector<1x1536xf32> to vector<16x1536xf32>
      %add3A_105 = arith.addf %dot_general3A_103, %add3A_104 : vector<16x1536xf32>
      %dot_general3A_106 = arith.constant dense<0.000000e+00> : vector<16x1536xf32>
      %dot_general3A_107 = tpu.matmul %scan3A_39, %get3A_95, %dot_general3A_106 {dimension_numbers = #tpu.dot_dimension_numbers<[1], [0], [0], [1], [0, 0, 1, 1], [], []>, transpose_lhs_hint = false} : vector<16x512xf32>, vector<512x1536xf32>, vector<16x1536xf32> -> vector<16x1536xf32>
      %add3A_108 = vector.broadcast %get3A_101 : vector<1x1536xf32> to vector<16x1536xf32>
      %add3A_109 = arith.addf %dot_general3A_107, %add3A_108 : vector<16x1536xf32>
      %slice3A_110 = vector.extract_strided_slice %add3A_105 {offsets = [0, 0], sizes = [16, 512], strides = [1, 1]} : vector<16x1536xf32> to vector<16x512xf32>
      %slice3A_111 = vector.extract_strided_slice %add3A_105 {offsets = [0, 512], sizes = [16, 512], strides = [1, 1]} : vector<16x1536xf32> to vector<16x512xf32>
      %slice3A_112 = vector.extract_strided_slice %add3A_105 {offsets = [0, 1024], sizes = [16, 512], strides = [1, 1]} : vector<16x1536xf32> to vector<16x512xf32>
      %slice3A_113 = vector.extract_strided_slice %add3A_109 {offsets = [0, 0], sizes = [16, 512], strides = [1, 1]} : vector<16x1536xf32> to vector<16x512xf32>
      %slice3A_114 = vector.extract_strided_slice %add3A_109 {offsets = [0, 512], sizes = [16, 512], strides = [1, 1]} : vector<16x1536xf32> to vector<16x512xf32>
      %slice3A_115 = vector.extract_strided_slice %add3A_109 {offsets = [0, 1024], sizes = [16, 512], strides = [1, 1]} : vector<16x1536xf32> to vector<16x512xf32>
      %add3A_116 = arith.addf %slice3A_110, %slice3A_113 : vector<16x512xf32>
      %logistic3A_117 = arith.negf %add3A_116 : vector<16x512xf32>
      %logistic3A_118 = math.exp %logistic3A_117 : vector<16x512xf32>
      %logistic3A_119 = arith.constant 1.000000e+00 : f32
      %logistic3A_120 = vector.broadcast %logistic3A_119 : f32 to vector<16x512xf32>
      %logistic3A_121 = arith.addf %logistic3A_120, %logistic3A_118 : vector<16x512xf32>
      %logistic3A_122 = arith.divf %logistic3A_120, %logistic3A_121 : vector<16x512xf32>
      %add3A_123 = arith.addf %slice3A_111, %slice3A_114 : vector<16x512xf32>
      %logistic3A_124 = arith.negf %add3A_123 : vector<16x512xf32>
      %logistic3A_125 = math.exp %logistic3A_124 : vector<16x512xf32>
      %logistic3A_126 = arith.constant 1.000000e+00 : f32
      %logistic3A_127 = vector.broadcast %logistic3A_126 : f32 to vector<16x512xf32>
      %logistic3A_128 = arith.addf %logistic3A_127, %logistic3A_125 : vector<16x512xf32>
      %logistic3A_129 = arith.divf %logistic3A_127, %logistic3A_128 : vector<16x512xf32>
      %mul3A_130 = arith.mulf %logistic3A_122, %slice3A_115 : vector<16x512xf32>
      %add3A_131 = arith.addf %slice3A_112, %mul3A_130 : vector<16x512xf32>
      %tanh3A_132 = math.tanh %add3A_131 : vector<16x512xf32>
      %sub3A_133 = arith.constant 1.000000e+00 : f32
      %sub3A_134 = vector.broadcast %sub3A_133 : f32 to vector<16x512xf32>
      %sub3A_135 = arith.subf %sub3A_134, %logistic3A_129 : vector<16x512xf32>
      %mul3A_136 = arith.mulf %sub3A_135, %tanh3A_132 : vector<16x512xf32>
      %mul3A_137 = arith.mulf %logistic3A_129, %scan3A_39 : vector<16x512xf32>
      %add3A_138 = arith.addf %mul3A_136, %mul3A_137 : vector<16x512xf32>
      %mul3A_139 = arith.constant 16 : i32
      %mul3A_140 = arith.muli %scan3A_37, %mul3A_139 : i32
      %swap3A_141 = arith.index_cast %mul3A_140 : i32 to index
      %swap3A_142 = arith.constant 0 : index
      %swap3A_143 = vector.load %arg15[%swap3A_141, %swap3A_142] : memref<320x512xf32, #tpu.memory_space<vmem>>, vector<16x512xf32>
      tpu.vector_store %arg15[%swap3A_141, %swap3A_142], %add3A_138 {strides = array<i32>} : memref<320x512xf32, #tpu.memory_space<vmem>>, vector<16x512xf32>,
      scf.yield %add3A_89, %add3A_138 : vector<16x512xf32>, vector<16x512xf32>
    }
    %scan3A_13 = arith.constant 20 : i32
    %get3A_14 = arith.constant 0 : index
    %get3A_15 = arith.constant 0 : index
    %get3A_16 = vector.load %arg15[%get3A_14, %get3A_15] : memref<320x512xf32, #tpu.memory_space<vmem>>, vector<320x512xf32>
    %get3A_17 = arith.constant 0 : index
    %get3A_18 = arith.constant 0 : index
    %get3A_19 = vector.load %arg10[%get3A_17, %get3A_18] : memref<512x512xf32, #tpu.memory_space<vmem>>, vector<512x512xf32>
    %dot_general3A = arith.constant dense<0.000000e+00> : vector<320x512xf32>
    %dot_general3A_20 = tpu.matmul %get3A_16, %get3A_19, %dot_general3A {dimension_numbers = #tpu.dot_dimension_numbers<[1], [0], [0], [1], [0, 0, 1, 1], [], []>, transpose_lhs_hint = false} : vector<320x512xf32>, vector<512x512xf32>, vector<320x512xf32> -> vector<320x512xf32>
    %get3A_21 = arith.constant 0 : index
    %get3A_22 = arith.constant 0 : index
    %get3A_23 = vector.load %arg11[%get3A_21, %get3A_22] : memref<1x512xf32, #tpu.memory_space<vmem>>, vector<1x512xf32>
    %add3A = vector.broadcast %get3A_23 : vector<1x512xf32> to vector<320x512xf32>
    %add3A_24 = arith.addf %dot_general3A_20, %add3A : vector<320x512xf32>
    %tanh3A = math.tanh %add3A_24 : vector<320x512xf32>
    %get3A_25 = arith.constant 0 : index
    %get3A_26 = arith.constant 0 : index
    %get3A_27 = vector.load %arg12[%get3A_25, %get3A_26] : memref<512x256xf32, #tpu.memory_space<vmem>>, vector<512x256xf32>
    %dot_general3A_28 = arith.constant dense<0.000000e+00> : vector<320x256xf32>
    %dot_general3A_29 = tpu.matmul %tanh3A, %get3A_27, %dot_general3A_28 {dimension_numbers = #tpu.dot_dimension_numbers<[1], [0], [0], [1], [0, 0, 1, 1], [], []>, transpose_lhs_hint = false} : vector<320x512xf32>, vector<512x256xf32>, vector<320x256xf32> -> vector<320x256xf32>
    %get3A_30 = arith.constant 0 : index
    %get3A_31 = arith.constant 0 : index
    %get3A_32 = vector.load %arg13[%get3A_30, %get3A_31] : memref<1x256xf32, #tpu.memory_space<vmem>>, vector<1x256xf32>
    %add3A_33 = vector.broadcast %get3A_32 : vector<1x256xf32> to vector<320x256xf32>
    %add3A_34 = arith.addf %dot_general3A_29, %add3A_33 : vector<320x256xf32>
    %swap3A = arith.constant 0 : index
    %swap3A_35 = arith.constant 0 : index
    %swap3A_36 = vector.load %arg14[%swap3A, %swap3A_35] : memref<320x256xf32, #tpu.memory_space<vmem>>, vector<320x256xf32>
    tpu.vector_store %arg14[%swap3A, %swap3A_35], %add3A_34 {strides = array<i32>} : memref<320x256xf32, #tpu.memory_space<vmem>>, vector<320x256xf32>,
    return
  }
}

module attributes {stable_mosaic.version = 14 : i64} {
  func.func @_logits_body(%arg0: i32, %arg1: memref<320x256xf32, #tpu.memory_space<vmem>>, %arg2: memref<4096x256xf32, #tpu.memory_space<vmem>>, %arg3: memref<1x4096xf32, #tpu.memory_space<vmem>>, %arg4: memref<16x20x4096xf32, #tpu.memory_space<vmem>>) attributes {dimension_semantics = [#tpu.dimension_semantics<arbitrary>], iteration_bounds = array<i64: 25>, scalar_prefetch = 0 : i64, scratch_operands = 0 : i64, tpu.core_type = #tpu.core_type<tc>, window_params = [{pipeline_mode = #tpu.pipeline_mode<synchronous>, transform_indices = @transform_0, window_bounds = array<i64: 320, 256>}, {transform_indices = @transform_1, window_bounds = array<i64: 4096, 256>}, {transform_indices = @transform_2, window_bounds = array<i64: 1, 4096>}, {transform_indices = @transform_3, window_bounds = array<i64: 16, 20, 4096>}]} {
    %get3A = arith.constant 0 : index
    %get3A_0 = arith.constant 0 : index
    %get3A_1 = vector.load %arg1[%get3A, %get3A_0] : memref<320x256xf32, #tpu.memory_space<vmem>>, vector<320x256xf32>
    %get3A_2 = arith.constant 0 : index
    %get3A_3 = arith.constant 0 : index
    %get3A_4 = vector.load %arg2[%get3A_2, %get3A_3] : memref<4096x256xf32, #tpu.memory_space<vmem>>, vector<4096x256xf32>
    %dot_general3A = arith.constant dense<0.000000e+00> : vector<320x4096xf32>
    %dot_general3A_5 = tpu.matmul %get3A_1, %get3A_4, %dot_general3A {dimension_numbers = #tpu.dot_dimension_numbers<[1], [1], [0], [0], [0, 0, 1, 0], [], []>, transpose_lhs_hint = false} : vector<320x256xf32>, vector<4096x256xf32>, vector<320x4096xf32> -> vector<320x4096xf32>
    %get3A_6 = arith.constant 0 : index
    %get3A_7 = arith.constant 0 : index
    %get3A_8 = vector.load %arg3[%get3A_6, %get3A_7] : memref<1x4096xf32, #tpu.memory_space<vmem>>, vector<1x4096xf32>
    %add3A = vector.broadcast %get3A_8 : vector<1x4096xf32> to vector<320x4096xf32>
    %add3A_9 = arith.addf %dot_general3A_5, %add3A : vector<320x4096xf32>
    %reshape3A = vector.shape_cast %add3A_9 : vector<320x4096xf32> to vector<16x20x4096xf32>
    %swap3A = arith.constant 0 : index
    %swap3A_10 = arith.constant 0 : index
    %swap3A_11 = arith.constant 0 : index
    %swap3A_12 = vector.load %arg4[%swap3A, %swap3A_10, %swap3A_11] : memref<16x20x4096xf32, #tpu.memory_space<vmem>>, vector<16x20x4096xf32>
    tpu.vector_store %arg4[%swap3A, %swap3A_10, %swap3A_11], %reshape3A {strides = array<i32>} : memref<16x20x4096xf32, #tpu.memory_space<vmem>>, vector<16x20x4096xf32>,
    return
  }
  func.func @transform_0(%arg0: i32) -> (i32, i32) {
    %c0_i32 = arith.constant 0 : i32
    %c0_i32_0 = arith.constant 0 : i32
    %c0_i32_1 = arith.constant 0 : i32
    return %c0_i32, %c0_i32_0 : i32, i32
  }
  func.func @transform_1(%arg0: i32) -> (i32, i32) {
    %c0_i32 = arith.constant 0 : i32
    %c0_i32_0 = arith.constant 0 : i32
    return %arg0, %c0_i32 : i32, i32
  }
  func.func @transform_2(%arg0: i32) -> (i32, i32) {
    %c0_i32 = arith.constant 0 : i32
    %c0_i32_0 = arith.constant 0 : i32
    return %c0_i32, %arg0 : i32, i32
  }
  func.func @transform_3(%arg0: i32) -> (i32, i32, i32) {
    %c0_i32 = arith.constant 0 : i32
    %c0_i32_0 = arith.constant 0 : i32
    %c0_i32_1 = arith.constant 0 : i32
    return %c0_i32, %c0_i32_0, %arg0 : i32, i32, i32
  }
}

</mosaic_0001>

<sc_bundles>
// kernel: kernel.5.cloned.1.call-start
scs
__scs_entry_jumppad:
0x0: {  	(pc) =	sbr.rel $0x88, $3  }
0x1: {  	(tag) =	ssettag $0x0;
	lr =	simm.s32 $0x1  }
0x2: {  	[smem:$0x3F91] =	sst lr;
	_ =	strace $0xD0000000  }
0x3: {  	_ = 	snop  }
0x4: {  	_ = 	snop  }
0x5: {  	_ = 	snop  }
0x6: {  	_ = 	snop  }
0x7: {  	_ = 	snop  }
__scs_overlays_trampoline_lowered:
0x8: {  	[smem:$0x3FA0] =	sst s0  }
0x9: {  	[smem:$0x3FA1] =	sst s1  }
0xa: {  	[smem:$0x3FA2] =	sst s2  }
0xb: {  	[smem:$0x3FA3] =	sst s3  }
0xc: {  	[smem:$0x3FA4] =	sst s4  }
0xd: {  	[smem:$0x3FA5] =	sst s5  }
0xe: {  	[smem:$0x3FA6] =	sst s6  }
0xf: {  	[smem:$0x3FA7] =	sst s7  }
0x10: {  	[smem:$0x3FA8] =	sst s8  }
0x11: {  	[smem:$0x3FA9] =	sst s9;
	s0 =	simm.s32 @!p0 $0x0  }
0x12: {  	s1 =	sld [smem:$0x3F8F];
	s0 =	simm.s32 @p0 $0x1  }
0x13: {  	[smem:$0x3FAA] =	sst s0;
	s0 =	simm.s32 @!p1 $0x0  }
0x14: {  	s2 =	sld [smem:$0x3F8E];
	s0 =	simm.s32 @p1 $0x1  }
0x15: {  	[smem:$0x3FAB] =	sst s0;
	s0 =	simm.s32 @!p2 $0x0  }
0x16: {  	s3 =	sld [smem:$0x3FDB];
	s0 =	simm.s32 @p2 $0x1  }
0x17: {  	s4 =	simm.s32 $0x1BF5;
	[smem:$0x3FAD] =	sst s0  }
0x18: {  	s0 =	sld [smem:$0x3F90];
	_ =	swait.ge [sflag:s4], $0x0  }
0x19: {  	s7 =	sld [smem:$0x3F91]  }
0x1a: {  	s8 =	sadd.s32 $0xFFFFE003, lr  }
0x1b: {  	s9 =	sadd.s32 $0xFFFFFEF7, lr;
	s5 =	simm.s32 $0xFFFFFFFF;
	p2 =	slt.u32 s8, $0xFFFFF086  }
0x1c: {  	p1 =	slt.u32 s9, $0xF7A;
	s5 =	simm.s32 @!p2 $0x0  }
0x1d: {  	s5 =	simm.s32 @p1 $0x1;
	p0 =	seq.s32 s7, s2  }
0x1e: {  	s7 =	smul.u32 @!p0 $0xF7A, s2;
	p2 =	seq.s32 @!p0 s5, $0x0  }
0x1f: {  	s9 =	smul.u32 $0xF7A, s1;
	s8 =	simm.s32 @!p0 $0x1BF5;
	p2 =	por !p2, p0  }
0x20: {  	[sflag:s8] =	ssyncset.s32 @!p0 $0xFFFFF086;
	s6 =	sadd.s32 @!p0 s3, s7;
	s7 =	simm.s32 @!p0 $0x108  }
0x21: {  	s3 =	sadd.s32 s3, s9;
	s6 =	sadd.s32 @!p0 $0x88, s6;
	s7 =	simm.s32 @p2 $0x1082  }
0x22: {  	[simem:s7], [sflag:s8] =	dma.local @!p0 [hbm:s6], $0xF7A  }
0x23: {  	s9 =	sor.u32 $0xD0000000, s2;
	s6 =	simm.s32 $0x108;
	_ =	swait.ge @!p0 [sflag:s8], $0x0  }
0x24: {  	s3 =	sadd.s32 $0x88, s3;
	s6 =	simm.s32 @!p1 $0x1082;
	[sflag:s4] =	ssyncset.s32 $0xFFFFF086  }
0x25: {  	[simem:s6], [sflag:s4] =	dma.local [hbm:s3], $0xF7A  }
0x26: {  	[smem:$0x3F91] =	sst s1;
	(tag) =	ssettag s2;
	_ =	strace s9  }
0x27: {  	s1 =	sld [smem:$0x3FA1]  }
0x28: {  	s2 =	sld [smem:$0x3FA2]  }
0x29: {  	s4 =	sld [smem:$0x3FA4]  }
0x2a: {  	p0 =	seq.s32 s5, $0x0;
	s5 =	sld [smem:$0x3FA5]  }
0x2b: {  	s6 =	sld [smem:$0x3FA6]  }
0x2c: {  	s7 =	sld [smem:$0x3FA7]  }
0x2d: {  	s3 =	simm.s32 $0x108;
	s8 =	sld [smem:$0x3FA8]  }
0x2e: {  	s3 =	simm.s32 @!p0 $0x1082;
	s9 =	sld [smem:$0x3FA9]  }
0x2f: {  	lr =	sadd.s32 s0, s3;
	s0 =	sld [smem:$0x3FA0]  }
0x30: {  	s3 =	sld [smem:$0x3FA3]  }
0x31: {  	[smem:$0x3FAC] =	sst s10  }
0x32: {  	s10 =	sld [smem:$0x3FAA];
	_ =	sdelay $0x3  }
0x33: {  	p0 =	seq.s32 s10, $0x1;
	s10 =	sld [smem:$0x3FAC];
	_ =	sdelay $0x3  }
0x34: {  	[smem:$0x3FAC] =	sst s10  }
0x35: {  	s10 =	sld [smem:$0x3FAB];
	_ =	sdelay $0x3  }
0x36: {  	p1 =	seq.s32 s10, $0x1;
	s10 =	sld [smem:$0x3FAC];
	_ =	sdelay $0x3  }
0x37: {  	[smem:$0x3FAC] =	sst s10  }
0x38: {  	s10 =	sld [smem:$0x3FAD]  }
0x39: {  	_ = 	snop;
	(pc) =	sbr.ind lr, $3  }
0x3a: {  	_ = 	snop  }
0x3b: {  	_ = 	snop  }
0x3c: {  	p2 =	seq.s32 s10, $0x1;
	s10 =	sld [smem:$0x3FAC]  }
0x3d: {  	_ =	shalt  }
0x3e: {  	_ =	shalt  }
0x3f: {  	_ =	shalt  }
0x40: {  	_ =	shalt  }
0x41: {  	_ =	shalt  }
0x42: {  	_ =	shalt  }
0x43: {  	_ =	shalt  }
0x44: {  	_ =	shalt  }
0x45: {  	_ =	shalt  }
0x46: {  	_ =	shalt  }
0x47: {  	_ =	shalt  }
0x48: {  	_ =	shalt  }
0x49: {  	_ =	shalt  }
0x4a: {  	_ =	shalt  }
0x4b: {  	_ =	shalt  }
0x4c: {  	_ =	shalt  }
0x4d: {  	_ =	shalt  }
0x4e: {  	_ =	shalt  }
0x4f: {  	_ =	shalt  }
0x50: {  	_ =	shalt  }
0x51: {  	_ =	shalt  }
0x52: {  	_ =	shalt  }
0x53: {  	_ =	shalt  }
0x54: {  	_ =	shalt  }
0x55: {  	_ =	shalt  }
0x56: {  	_ =	shalt  }
0x57: {  	_ =	shalt  }
0x58: {  	_ =	shalt  }
0x59: {  	_ =	shalt  }
0x5a: {  	_ =	shalt  }
0x5b: {  	_ =	shalt  }
0x5c: {  	_ =	shalt  }
0x5d: {  	_ =	shalt  }
0x5e: {  	_ =	shalt  }
0x5f: {  	_ =	shalt  }
0x60: {  	_ =	shalt  }
0x61: {  	_ =	shalt  }
0x62: {  	_ =	shalt  }
0x63: {  	_ =	shalt  }
0x64: {  	_ =	shalt  }
0x65: {  	_ =	shalt  }
0x66: {  	_ =	shalt  }
0x67: {  	_ =	shalt  }
0x68: {  	_ =	shalt  }
0x69: {  	_ =	shalt  }
0x6a: {  	_ =	shalt  }
0x6b: {  	_ =	shalt  }
0x6c: {  	_ =	shalt  }
0x6d: {  	_ =	shalt  }
0x6e: {  	_ =	shalt  }
0x6f: {  	_ =	shalt  }
0x70: {  	_ =	shalt  }
0x71: {  	_ =	shalt  }
0x72: {  	_ =	shalt  }
0x73: {  	_ =	shalt  }
0x74: {  	_ =	shalt  }
0x75: {  	_ =	shalt  }
0x76: {  	_ =	shalt  }
0x77: {  	_ =	shalt  }
0x78: {  	_ =	shalt  }
0x79: {  	_ =	shalt  }
0x7a: {  	_ =	shalt  }
0x7b: {  	_ =	shalt  }
0x7c: {  	_ =	shalt  }
0x7d: {  	_ =	shalt  }
0x7e: {  	_ =	shalt  }
0x7f: {  	_ =	shalt  }
0x80: {  	_ =	shalt  }
0x81: {  	_ =	shalt  }
0x82: {  	_ =	shalt  }
0x83: {  	_ =	shalt  }
0x84: {  	_ =	shalt  }
0x85: {  	_ =	shalt  }
0x86: {  	_ =	shalt  }
0x87: {  	_ =	shalt  }
.Lfunc_end0:
.L_simem_size_0:
called_computation_lowered:
.L_overlay_start_0:
0x88: {  	s2 =	sld [smem:$0x3FD9]  }
0x89: {  	s3 =	sld [smem:$0x3FFE];
	_ =	sdelay $0x1  }
0x8a: {  	s1 =	srdreg.scid  }
0x8b: {  	s0 =	sand.u32 $0x1, s1  }
0x8c: {  	s17 =	sshll.u32 s0, $0xA;
	s2 =	sadd.s32 s3, s2  }
0x8d: {  	s2 =	sadd.s32 s2, s17  }
0x8e: {  	[smem:$0x3FB8] =	sst s2  }
0x8f: {  	_ = 	snop  }
0x90: {  	s2 =	sld [smem:$0x3FC7]  }
0x91: {  	s18 =	sld [smem:$0x3FD0];
	(tm) =	ssettm $0x1  }
0x92: {  	s4 =	sld [smem:$0x3FFB];
	_ =	sdelay $0x3  }
0x93: {  	_ =	strace s4  }
0x94: {  	s4 =	sld [smem:$0x3FFC];
	_ =	sdelay $0x3  }
0x95: {  	_ =	strace s4  }
0x96: {  	s4 =	sld [smem:$0x3FFD];
	_ =	sdelay $0x3  }
0x97: {  	_ =	strace s4  }
0x98: {  	_ =	strace $0x8FFFFFFF  }
0x99: {  	s19 =	sld [smem:$0x3FDB];
	_ =	sdelay $0x1  }
0x9a: {  	s5 =	simm.s32 $_scs_section_size  }
0x9b: {  	s6 =	simm.s32 $_size__tile_overlayer_lowered;
	s7 =	simm.s32 $_tile_overlayer_lowered  }
0x9c: {  	s22 =	simm.s32 $0x1BFF;
	s21 =	sshll.u32 s7, $0x1;
	s4 =	sadd.s32 s5, s19  }
0x9d: {  	s8 =	simm.s32 $0x0;
	s20 =	sshll.u32 s6, $0x1;
	s6 =	sadd.s32 s21, s4  }
0x9e: {  	[timem:s8], [sflag:s22] =	dma.local [hbm:s6], s20  }
0x9f: {  	_ =	swait.ge [sflag:s22], s20  }
0xa0: {  	s5 =	ssub.s32 $0x0, s20;
	[sflag:s22] =	ssyncset.done $0x0  }
0xa1: {  	[sflag:s22] =	ssyncadd.s32 s5;
	_ =	sdelay $0x1  }
0xa2: {  	s23 =	simm.s32 $0x1B8B  }
0xa3: {  	_ =	swait.ge [sflag:s23], $0x1  }
0xa4: {  	[sflag:s23] =	ssyncset.done $0x0  }
0xa5: {  	s25 =	simm.s32 $0x1B8E;
	s24 =	sld [smem:$0x3FFE];
	[sflag:s23] =	ssyncadd.s32 $0xFFFFFFFF  }
0xa6: {  	s26 =	simm.s32 $execute0_lowered;
	[smem:$0x3FD2] =	sst s25  }
0xa7: {  	s6 =	sshll.u32 s26, $0x1;
	_ =	strace $0x80000046;
	[dreg:$0x1] =	wrdreg $0xFFFFFFFF  }
0xa8: {  	s28 =	simm.s32 $_size_execute0_lowered;
	s4 =	sadd.s32 s4, s6;
	[dreg:$0x0] =	wrdreg $0x0  }
0xa9: {  	s6 =	sshll.u32 s28, $0x1;
	[dreg:$0x2] =	wrdreg s4  }
0xaa: {  	[dreg:$0x3] =	wrdreg s6  }
0xab: {  	[dreg:$0x4] =	wrdreg $0xC0  }
0xac: {  	_ =	task [dreg:s8], $0x5FFFF  }
0xad: {  	[dreg:$0x1] =	wrdreg $0xFFFFFFFF  }
0xae: {  	[dreg:$0x0] =	wrdreg $0x60  }
0xaf: {  	[dreg:$0x2] =	wrdreg s2  }
0xb0: {  	[dreg:$0x3] =	wrdreg s24  }
0xb1: {  	[dreg:$0x4] =	wrdreg s18  }
0xb2: {  	[dreg:$0x5] =	wrdreg $0x9  }
0xb3: {  	_ =	task.clear_ibuf [dreg:s8], $0x6FFFF;
	_ =	strace $0x90000046  }
0xb4: {  	s29 =	simm.s32 $0x9;
	_ =	strace $0x8000004F  }
0xb5: {  	_ =	swait.ge [sflag:s29], $0x1  }
0xb6: {  	[sflag:s29] =	ssyncadd.s32 $0xFFFFFFFF  }
0xb7: {  	_ =	strace $0x9000004F  }
0xb8: {  	_ =	sfence  }
0xb9: {  	s30 =	sld [smem:$0x0];
	_ =	sdelay $0x2  }
0xba: {  	s31 =	sshll.u32 s1, $0xD;
	s1 =	sshrl.u32 s1, $0x2  }
0xbb: {  	s3 =	sand.u32 $0x4000, s31;
	s1 =	sadd.s32 s1, s30  }
0xbc: {  	s0 =	sor.u32 s3, s0;
	s1 =	sshll.u32 s1, $0x11  }
0xbd: {  	s0 =	sor.u32 s1, s0  }
0xbe: {  	s0 =	sadd.s32 $0x8F2B, s0  }
0xbf: {  	[sflag:s0] =	ssyncadd.remote.s32 $0x1  }
0xc0: {  	_ =	sfence.sel $0xFFFF  }
0xc1: {  	[dreg:$0x0] =	wrdreg $0xFFFFFFFF;
	(pc) =	sbr.abs _section_cstart, $3  }
0xc2: {  	[dreg:$0x1] =	wrdreg $0xFFFFFFFF  }
0xc3: {  	_ =	task.clear_ibuf [dreg:s8], $0x2FFFF;
	_ =	strace $0x9FFFFFFF  }
0xc4: {  	(tm) =	ssettm $0x7FFFFFFF  }
0xc5: {  	_ =	shalt  }
tec
execute0_lowered:
.L_overlay_start_1:
0x0: {  	(tag) =	ssettag $0x1  }
0x1: {  	s2 =	stileid.u32  }
0x2: {  	p0 =	sgt.u32 s2, $0x3  }
.Ltmp0:
0x3: {  	s1 =	rddreg [dreg:$0x0];
	(pc) =	sbr.rel @p0 .LBB2_3-.Ltmp0, $4  }
0x4: {  	s4 =	rddreg [dreg:$0x1]  }
0x5: {  	s5 =	rddreg [dreg:$0x2];
	s3 =	simm.s32 $0x0  }
0x6: {  	[smem:$0x7FF] =	sst s3  }
0x7: {  	s0 =	rddreg [dreg:$0x3];
	_ =	strace $0x80000047  }
0x8: {  	s6 =	srdreg.scid  }
0x9: {  	s7 =	smin.u32 s2, $0x4;
	s9 =	simm.s32 $0x900;
	s10 =	simm.s32 $0x1100  }
0xa: {  	s11 =	simm.s32 $0x1900;
	s12 =	simm.s32 $0x2100;
	s13 =	simm.s32 $0x2900  }
0xb: {  	s14 =	simm.s32 $0x3100;
	s15 =	simm.s32 $0x3900;
	s16 =	simm.s32 $0x4100  }
0xc: {  	s17 =	simm.s32 $0x4900;
	s18 =	simm.s32 $0x5100;
	s19 =	simm.s32 $0x5900  }
0xd: {  	s20 =	simm.s32 $0x6100;
	s21 =	simm.s32 $0x6900;
	s22 =	simm.s32 $0x7100  }
0xe: {  	s23 =	simm.s32 $0x7900;
	s24 =	simm.s32 $0x5;
	s6 =	sand.u32 $0x1, s6  }
0xf: {  	s25 =	simm.s32 $0x3;
	s8 =	sshll.u32 s7, $0x4;
	s6 =	ssub.s32 $0x2, s6  }
0x10: {  	v2 =	vlaneseq.u32;
	s7 =	sshll.u32 s7, $0xC;
	s4 =	sadd.s32 s8, s4;
	s31 =	sshrl.u32 s6, $0x1  }
0x11: {  	vm0 =	vmmov $0xffff;
	v1 =	vshrl.u32 v2, $0x3;
	s5 =	sadd.s32 s5, s7;
	s7 =	simm.s32 $0x1;
	s6 =	ssub.s32 s6, s31  }
0x12: {  	v0 =	vand.u32 $0x7, v2;
	v2 =	vor.u32 $0x8, v2;
	s8 =	simm.s32 $0x100;
	v1 =	vmul.u32 $0x8, v1;
	s4 =	sadd.s32 $0x2200, s4;
	s6 =	smax.u32 s6, $0x1  }
.LBB2_2:
0x13: {  	_ =	strace $0x80000048  }
0x14: {  	[tilespmem:s3], [sflag:$0x1] =	stream.linear.gather [hbm4b:s4+s3], $0x80, $0x200038;
	[tilespmem:$0x10100] =	vst v63  }
0x15: {  	_ =	strace $0x90000048  }
0x16: {  	_ =	strace $0x8000004A  }
0x17: {  	_ =	swait.ge [sflag:s7], $0x80  }
0x18: {  	[sflag:s7] =	ssyncset.done $0x0  }
0x19: {  	[sflag:s7] =	ssyncadd.s32 $0xFFFFFF80  }
0x1a: {  	_ =	strace $0x9000004A  }
0x1b: {  	_ =	strace $0x8000004B  }
0x1c: {  	v3 =	vld [tilespmem:$0x0];
	_ =	sdelay $0x4  }
0x1d: {  	v4 =	vshll.u32 v3, $0x1  }
0x1e: {  	v3 =	vand.u32 $0x7, v3;
	v4 =	vand.u32 $0xFFFFFFF0, v4  }
0x1f: {  	v3 =	vor.u32 v3, v4  }
0x20: {  	v4 =	vperm.xlane v3, v0;
	_ =	sdelay $0x1  }
0x21: {  	v3 =	vperm.xlane v3, v2;
	v4 =	vadd.s32 v1, v4;
	_ =	sdelay $0x1  }
0x22: {  	v3 =	vadd.s32 v1, v3;
	_ =	sdelay $0x2  }
0x23: {  	[tilespmem:s8], [sflag:$0x5] =	stream.indirect_vreg.gather [hbm4b:s1+s3], $0x80, v4, vm0, $0x2000b8;
	[tilespmem:$0x10100] =	vst v63  }
0x24: {  	_ = 	snop  }
0x25: {  	[tilespmem:s9], [sflag:$0x5] =	stream.indirect_vreg.gather [hbm4b:s1+s3], $0x80, v3, vm0, $0x2000b8;
	[tilespmem:$0x10100] =	vst v63  }
0x26: {  	v3 =	vld [tilespmem:$0x10];
	_ =	sdelay $0x4  }
0x27: {  	v57 =	vshll.u32 v3, $0x1  }
0x28: {  	v3 =	vand.u32 $0x7, v3;
	v4 =	vand.u32 $0xFFFFFFF0, v57  }
0x29: {  	v3 =	vor.u32 v3, v4  }
0x2a: {  	v4 =	vperm.xlane v3, v0;
	_ =	sdelay $0x1  }
0x2b: {  	v3 =	vperm.xlane v3, v2;
	v4 =	vadd.s32 v1, v4;
	_ =	sdelay $0x1  }
0x2c: {  	v3 =	vadd.s32 v1, v3;
	_ =	sdelay $0x2  }
0x2d: {  	[tilespmem:s10], [sflag:$0x5] =	stream.indirect_vreg.gather [hbm4b:s1+s3], $0x80, v4, vm0, $0x2000b8;
	[tilespmem:$0x10100] =	vst v63  }
0x2e: {  	_ = 	snop  }
0x2f: {  	[tilespmem:s11], [sflag:$0x5] =	stream.indirect_vreg.gather [hbm4b:s1+s3], $0x80, v3, vm0, $0x2000b8;
	[tilespmem:$0x10100] =	vst v63  }
0x30: {  	v3 =	vld [tilespmem:$0x20];
	_ =	sdelay $0x4  }
0x31: {  	v58 =	vshll.u32 v3, $0x1  }
0x32: {  	v3 =	vand.u32 $0x7, v3;
	v4 =	vand.u32 $0xFFFFFFF0, v58  }
0x33: {  	v3 =	vor.u32 v3, v4  }
0x34: {  	v4 =	vperm.xlane v3, v0;
	_ =	sdelay $0x1  }
0x35: {  	v3 =	vperm.xlane v3, v2;
	v4 =	vadd.s32 v1, v4;
	_ =	sdelay $0x1  }
0x36: {  	v3 =	vadd.s32 v1, v3;
	_ =	sdelay $0x2  }
0x37: {  	[tilespmem:s12], [sflag:$0x5] =	stream.indirect_vreg.gather [hbm4b:s1+s3], $0x80, v4, vm0, $0x2000b8;
	[tilespmem:$0x10100] =	vst v63  }
0x38: {  	_ = 	snop  }
0x39: {  	[tilespmem:s13], [sflag:$0x5] =	stream.indirect_vreg.gather [hbm4b:s1+s3], $0x80, v3, vm0, $0x2000b8;
	[tilespmem:$0x10100] =	vst v63  }
0x3a: {  	v3 =	vld [tilespmem:$0x30];
	_ =	sdelay $0x4  }
0x3b: {  	v59 =	vshll.u32 v3, $0x1  }
0x3c: {  	v3 =	vand.u32 $0x7, v3;
	v4 =	vand.u32 $0xFFFFFFF0, v59  }
0x3d: {  	v3 =	vor.u32 v3, v4  }
0x3e: {  	v4 =	vperm.xlane v3, v0;
	_ =	sdelay $0x1  }
0x3f: {  	v3 =	vperm.xlane v3, v2;
	v4 =	vadd.s32 v1, v4;
	_ =	sdelay $0x1  }
0x40: {  	v3 =	vadd.s32 v1, v3;
	_ =	sdelay $0x2  }
0x41: {  	[tilespmem:s14], [sflag:$0x5] =	stream.indirect_vreg.gather [hbm4b:s1+s3], $0x80, v4, vm0, $0x2000b8;
	[tilespmem:$0x10100] =	vst v63  }
0x42: {  	_ = 	snop  }
0x43: {  	[tilespmem:s15], [sflag:$0x5] =	stream.indirect_vreg.gather [hbm4b:s1+s3], $0x80, v3, vm0, $0x2000b8;
	[tilespmem:$0x10100] =	vst v63  }
0x44: {  	v3 =	vld [tilespmem:$0x40];
	_ =	sdelay $0x4  }
0x45: {  	v60 =	vshll.u32 v3, $0x1  }
0x46: {  	v3 =	vand.u32 $0x7, v3;
	v4 =	vand.u32 $0xFFFFFFF0, v60  }
0x47: {  	v3 =	vor.u32 v3, v4  }
0x48: {  	v4 =	vperm.xlane v3, v0;
	_ =	sdelay $0x1  }
0x49: {  	v3 =	vperm.xlane v3, v2;
	v4 =	vadd.s32 v1, v4;
	_ =	sdelay $0x1  }
0x4a: {  	v3 =	vadd.s32 v1, v3;
	_ =	sdelay $0x2  }
0x4b: {  	[tilespmem:s16], [sflag:$0x5] =	stream.indirect_vreg.gather [hbm4b:s1+s3], $0x80, v4, vm0, $0x2000b8;
	[tilespmem:$0x10100] =	vst v63  }
0x4c: {  	_ = 	snop  }
0x4d: {  	[tilespmem:s17], [sflag:$0x5] =	stream.indirect_vreg.gather [hbm4b:s1+s3], $0x80, v3, vm0, $0x2000b8;
	[tilespmem:$0x10100] =	vst v63  }
0x4e: {  	v3 =	vld [tilespmem:$0x50];
	_ =	sdelay $0x4  }
0x4f: {  	v61 =	vshll.u32 v3, $0x1  }
0x50: {  	v3 =	vand.u32 $0x7, v3;
	v4 =	vand.u32 $0xFFFFFFF0, v61  }
0x51: {  	v3 =	vor.u32 v3, v4  }
0x52: {  	v4 =	vperm.xlane v3, v0;
	_ =	sdelay $0x1  }
0x53: {  	v3 =	vperm.xlane v3, v2;
	v4 =	vadd.s32 v1, v4;
	_ =	sdelay $0x1  }
0x54: {  	v3 =	vadd.s32 v1, v3;
	_ =	sdelay $0x2  }
0x55: {  	[tilespmem:s18], [sflag:$0x5] =	stream.indirect_vreg.gather [hbm4b:s1+s3], $0x80, v4, vm0, $0x2000b8;
	[tilespmem:$0x10100] =	vst v63  }
0x56: {  	_ = 	snop  }
0x57: {  	[tilespmem:s19], [sflag:$0x5] =	stream.indirect_vreg.gather [hbm4b:s1+s3], $0x80, v3, vm0, $0x2000b8;
	[tilespmem:$0x10100] =	vst v63  }
0x58: {  	v3 =	vld [tilespmem:$0x60];
	_ =	sdelay $0x4  }
0x59: {  	v62 =	vshll.u32 v3, $0x1  }
0x5a: {  	v3 =	vand.u32 $0x7, v3;
	v4 =	vand.u32 $0xFFFFFFF0, v62  }
0x5b: {  	v3 =	vor.u32 v3, v4  }
0x5c: {  	v4 =	vperm.xlane v3, v0;
	_ =	sdelay $0x1  }
0x5d: {  	v3 =	vperm.xlane v3, v2;
	v4 =	vadd.s32 v1, v4;
	_ =	sdelay $0x1  }
0x5e: {  	v3 =	vadd.s32 v1, v3;
	_ =	sdelay $0x2  }
0x5f: {  	[tilespmem:s20], [sflag:$0x5] =	stream.indirect_vreg.gather [hbm4b:s1+s3], $0x80, v4, vm0, $0x2000b8;
	[tilespmem:$0x10100] =	vst v63  }
0x60: {  	_ = 	snop  }
0x61: {  	[tilespmem:s21], [sflag:$0x5] =	stream.indirect_vreg.gather [hbm4b:s1+s3], $0x80, v3, vm0, $0x2000b8;
	[tilespmem:$0x10100] =	vst v63  }
0x62: {  	v3 =	vld [tilespmem:$0x70];
	_ =	sdelay $0x4  }
0x63: {  	v63 =	vshll.u32 v3, $0x1  }
0x64: {  	v3 =	vand.u32 $0x7, v3;
	v4 =	vand.u32 $0xFFFFFFF0, v63  }
0x65: {  	v3 =	vor.u32 v3, v4  }
0x66: {  	v4 =	vperm.xlane v3, v0;
	_ =	sdelay $0x1  }
0x67: {  	v3 =	vperm.xlane v3, v2;
	v4 =	vadd.s32 v1, v4;
	_ =	sdelay $0x1  }
0x68: {  	v3 =	vadd.s32 v1, v3;
	_ =	sdelay $0x2  }
0x69: {  	[tilespmem:s22], [sflag:$0x5] =	stream.indirect_vreg.gather [hbm4b:s1+s3], $0x80, v4, vm0, $0x2000b8;
	[tilespmem:$0x10100] =	vst v63  }
0x6a: {  	_ = 	snop  }
0x6b: {  	[tilespmem:s23], [sflag:$0x5] =	stream.indirect_vreg.gather [hbm4b:s1+s3], $0x80, v3, vm0, $0x2000b8;
	[tilespmem:$0x10100] =	vst v63  }
0x6c: {  	_ =	swait.ge [sflag:s24], $0x8000  }
0x6d: {  	[sflag:s24] =	ssyncset.done $0x0  }
0x6e: {  	[sflag:s24] =	ssyncadd.s32 $0xFFFF8000  }
0x6f: {  	_ =	strace $0x9000004B  }
0x70: {  	_ =	strace $0x8000004C  }
0x71: {  	[hbm4b:s5+s3] =	stream.linear.scatter [tilespmem:s8], [sflag:$0x3], $0x8000, $0x200038;
	[tilespmem:$0x10100] =	vst v63  }
0x72: {  	p0 =	sne.s32 s6, $0x1;
	_ =	strace $0x9000004C  }
.Ltmp1:
0x73: {  	_ =	strace $0x8000004E;
	(pc) =	sbr.rel @p0 .LBB2_2-.Ltmp1, $4  }
0x74: {  	_ =	swait.ge [sflag:s25], $0x8000  }
0x75: {  	[sflag:s25] =	ssyncset.done $0x0  }
0x76: {  	[sflag:s25] =	ssyncadd.s32 $0xFFFF8000  }
0x77: {  	s6 =	sadd.s32 $0xFFFFFFFF, s6;
	_ =	strace $0x9000004E  }
.LBB2_3:
0x78: {  	_ =	sfence.sel $0x180000  }
0x79: {  	[bflag:$0x0] =	sbarrier.arrive $0xFFFF  }
0x7a: {  	p0 =	sne.s32 s2, $0x0;
	_ =	strace $0x90000047  }
0x7b: {  	s0 =	sadd.s32 @!p0 $0x100000, s0;
	[bflag:$0x2] =	sbarrier.arrive $0xFFFF  }
0x7c: {  	[sflag:s0] =	ssyncadd.tile.s32 @!p0 $0x1;
	_ =	shalt  }
.Lfunc_end2:
_tile_overlayer_lowered:
.L_overlay_start_2:
0x7d: {  	(tag) =	ssettag $0x2  }
0x7e: {  	s0 =	rddreg [dreg:$0x0];
	s2 =	stileid.u32  }
0x7f: {  	s1 =	rddreg [dreg:$0x1];
	p0 =	sne.s32 s2, $0x0  }
0x80: {  	s3 =	rddreg [dreg:$0x2];
	[bflag:$0x3] =	sbarrier.arrive $0xFFFF;
	s2 =	simm.s32 @!p0 $0x1C01  }
0x81: {  	[timem:s3], [sflag:s2] =	dma.local @!p0 [hbm:s0], s1  }
0x82: {  	s0 =	simm.s32 @!p0 $0x1  }
0x83: {  	_ =	swait.ge @!p0 [sflag:s0], s1  }
0x84: {  	s1 =	ssub.s32 @!p0 $0x0, s1;
	[sflag:s0] =	ssyncset.done @!p0 $0x0  }
0x85: {  	[sflag:s0] =	ssyncadd.s32 @!p0 s1  }
0x86: {  	[bflag:$0x3] =	sbarrier.arrive $0xFFFF  }
0x87: {  	_ =	shalt  }

</sc_bundles>
